<compile_context>
chip_gen: v7x
topology: tpu7x:2x2x1
jax: 0.10.2.dev20260603
libtpu: 0.0.44.dev20260713+nightly
codegen_flags: <defaults>
</compile_context>

<pallas_src>
import functools

import jax
import jax.numpy as jnp
from jax import lax
from jax.experimental import pallas as pl
from jax.experimental.pallas import tpu as pltpu
from jax.experimental.pallas import tpu_sc as plsc

_NB = 4
_NBUF = 4
_SEQ_PAD = 56


@functools.lru_cache(maxsize=None)
def _build_gather(bsz, seq, d):
    info = plsc.get_sparse_core_info()
    nc, ns = info.num_cores, info.num_subcores
    nw = nc * ns
    b_per_w = bsz // nw
    n_chunks = b_per_w // _NB
    n_super = n_chunks // _NBUF
    assert b_per_w * nw == bsz
    assert n_chunks * _NB == b_per_w
    assert n_super * _NBUF == n_chunks
    assert seq <= _SEQ_PAD and _SEQ_PAD % 8 == 0

    mesh = plsc.VectorSubcoreMesh(core_axis_name="c", subcore_axis_name="s")

    scratch = (
        [pltpu.VMEM((b_per_w, _SEQ_PAD), jnp.int32)]
        + [pltpu.VMEM((_NB, seq, d), jnp.float32) for _ in range(_NBUF)]
        + [pltpu.SemaphoreType.DMA for _ in range(2 * _NBUF)]
    )

    @functools.partial(
        pl.kernel,
        mesh=mesh,
        out_type=jax.ShapeDtypeStruct((bsz, seq, d), jnp.float32),
        scratch_types=scratch,
    )
    def gather(idx_hbm, table_hbm, out_hbm, idx_v, *rest):
        bufs = rest[:_NBUF]
        gsems = rest[_NBUF:2 * _NBUF]
        ssems = rest[2 * _NBUF:]

        wid = lax.axis_index("s") * nc + lax.axis_index("c")
        base = wid * b_per_w
        pltpu.sync_copy(idx_hbm.at[pl.ds(base, b_per_w)], idx_v)

        def body(s, carry):
            c0 = s * _NBUF
            hg = []
            for k in range(_NBUF):
                for r in range(_NB):
                    row = (c0 + k) * _NB + r
                    hg.append(pltpu.async_copy(
                        table_hbm.at[idx_v.at[row, pl.ds(0, seq)]],
                        bufs[k].at[r], gsems[k]))
            hs = []
            for k in range(_NBUF):
                for r in range(_NB):
                    hg[k * _NB + r].wait()
                hs.append(pltpu.async_copy(
                    bufs[k], out_hbm.at[pl.ds(base + (c0 + k) * _NB, _NB)],
                    ssems[k]))
            for h in hs:
                h.wait()
            return carry

        lax.fori_loop(0, n_super, body, 0)

    return gather


def kernel(input, table):
    bsz, seq = input.shape
    _, d = table.shape
    idx = jnp.pad(input.astype(jnp.int32), ((0, 0), (0, _SEQ_PAD - seq)))
    return _build_gather(bsz, seq, d)(idx, table)

# --- scband reference (transcript-rebuilt; emitter-appended) ---
"""Pipeline reference for scband-embedding-layer-15315853377983 (READ-ONLY COPY).

The authoritative reference and input builder live on the scoring server;
editing this copy changes nothing except your own understanding.
"""

import jax, jax.numpy as jnp
import numpy as np

V = 100000   # vocab size (word_2_idx.get_word_size())
D = 128      # embed_size
PAD = 0      # padding_idx (word_2_idx 'pad' token)
B = 4096
L = 50

def setup_inputs(seed: int = 0) -> dict:
    key = jax.random.key(seed)
    k1, k2 = jax.random.split(key)
    table = jax.random.normal(k1, (V, D), dtype=jnp.float32)
    # nn.Embedding with padding_idx zeroes the pad row at init
    table = table.at[PAD].set(0.0)
    indices = jax.random.randint(k2, (B, L), 0, V, dtype=jnp.int64 if jax.config.read('jax_enable_x64') else jnp.int32)
    return {"input": indices, "table": table}

def reference(input, table):
    # EmbeddingLayer.forward: self.embedding(input)
    return jnp.take(table, input, axis=0)

if __name__ == "__main__":
    import jax
    _d = setup_inputs()
    print(jax.jit(kernel)(*tuple(_d.values())))

</pallas_src>

<mosaic_0001>
#map = affine_map<(d0, d1) -> (0, 0)>
#map1 = affine_map<(d0, d1) -> (0, 0, 0)>
module attributes {stable_mosaic.version = 14 : i64} {
  func.func @gather(%arg0: i32, %arg1: i32, %arg2: memref<4096x56xi32, #tpu.memory_space<hbm>>, %arg3: memref<100000x128xf32, #tpu.memory_space<hbm>>, %arg4: memref<4096x50x128xf32, #tpu.memory_space<hbm>>, %arg5: memref<128x56xi32, #tpu.memory_space<vmem>>, %arg6: memref<4x50x128xf32, #tpu.memory_space<vmem>>, %arg7: memref<4x50x128xf32, #tpu.memory_space<vmem>>, %arg8: memref<4x50x128xf32, #tpu.memory_space<vmem>>, %arg9: memref<4x50x128xf32, #tpu.memory_space<vmem>>, %arg10: memref<!tpu.dma_semaphore, #tpu.memory_space<semaphore_mem>>, %arg11: memref<!tpu.dma_semaphore, #tpu.memory_space<semaphore_mem>>, %arg12: memref<!tpu.dma_semaphore, #tpu.memory_space<semaphore_mem>>, %arg13: memref<!tpu.dma_semaphore, #tpu.memory_space<semaphore_mem>>, %arg14: memref<!tpu.dma_semaphore, #tpu.memory_space<semaphore_mem>>, %arg15: memref<!tpu.dma_semaphore, #tpu.memory_space<semaphore_mem>>, %arg16: memref<!tpu.dma_semaphore, #tpu.memory_space<semaphore_mem>>, %arg17: memref<!tpu.dma_semaphore, #tpu.memory_space<semaphore_mem>>) attributes {dimension_semantics = [#tpu.dimension_semantics<core_parallel>, #tpu.dimension_semantics<subcore_parallel>], iteration_bounds = array<i64: 2, 16>, scalar_prefetch = 0 : i64, scratch_operands = 13 : i64, tpu.core_type = #tpu.core_type<sc_vector_subcore>, window_params = [{transform_indices = #map}, {transform_indices = #map}, {transform_indices = #map1}]} {
    %mul3A = arith.constant 2 : i32
    %mul3A_0 = arith.muli %arg1, %mul3A : i32
    %add3A = arith.addi %mul3A_0, %arg0 : i32
    %mul3A_1 = arith.constant 128 : i32
    %mul3A_2 = arith.muli %add3A, %mul3A_1 : i32
    "tpu.region"() ({
      %run_scoped3A = tpu.sem_alloc : memref<!tpu.dma_semaphore, #tpu.memory_space<semaphore_mem>>
      %dma_start3A = arith.constant 0 : i32
      %dma_start3A_8 = tpu.memref_slice %arg2[%mul3A_2, %dma_start3A] : memref<4096x56xi32, #tpu.memory_space<hbm>> -> memref<128x56xi32, #tpu.memory_space<hbm>>
      %dma_start3A_9 = arith.constant 0 : i32
      %dma_start3A_10 = tpu.memref_slice %arg2[%mul3A_2, %dma_start3A_9] : memref<4096x56xi32, #tpu.memory_space<hbm>> -> memref<128x56xi32, #tpu.memory_space<hbm>>
      tpu.enqueue_dma source(%dma_start3A_10 : memref<128x56xi32, #tpu.memory_space<hbm>>) target(%arg5 : memref<128x56xi32, #tpu.memory_space<vmem>>) target_semaphore(%run_scoped3A : memref<!tpu.dma_semaphore, #tpu.memory_space<semaphore_mem>>)
      %dma_wait3A = arith.constant 0 : i32
      %dma_wait3A_11 = tpu.memref_slice %arg2[%mul3A_2, %dma_wait3A] : memref<4096x56xi32, #tpu.memory_space<hbm>> -> memref<128x56xi32, #tpu.memory_space<hbm>>
      %dma_wait3A_12 = arith.constant 0 : i32
      %dma_wait3A_13 = tpu.memref_slice %arg2[%mul3A_2, %dma_wait3A_12] : memref<4096x56xi32, #tpu.memory_space<hbm>> -> memref<128x56xi32, #tpu.memory_space<hbm>>
      tpu.wait_dma2 semaphore(%run_scoped3A : memref<!tpu.dma_semaphore, #tpu.memory_space<semaphore_mem>>) src(%dma_wait3A_13 : memref<128x56xi32, #tpu.memory_space<hbm>>) dst(%arg5 : memref<128x56xi32, #tpu.memory_space<vmem>>)
      tpu.yield
    }) : () -> ()
    %scan3A = arith.constant 0 : i32
    %scan3A_3 = arith.constant 0 : i32
    %scan3A_4 = arith.constant 8 : i32
    %scan3A_5 = arith.addi %scan3A_3, %scan3A_4 : i32
    %scan3A_6 = arith.constant 1 : i32
    scf.for %scan3A_8 = %scan3A_3 to %scan3A_5 step %scan3A_6  : i32 {
      %mul3A_9 = arith.constant 4 : i32
      %mul3A_10 = arith.muli %scan3A_8, %mul3A_9 : i32
      %add3A_11 = arith.constant 0 : i32
      %add3A_12 = arith.addi %mul3A_10, %add3A_11 : i32
      %mul3A_13 = arith.constant 4 : i32
      %mul3A_14 = arith.muli %add3A_12, %mul3A_13 : i32
      %add3A_15 = arith.constant 0 : i32
      %add3A_16 = arith.addi %mul3A_14, %add3A_15 : i32
      %dma_start3A = arith.constant 0 : i32
      %dma_start3A_17 = arith.constant 0 : i32
      %dma_start3A_18 = arith.constant 0 : i32
      %dma_start3A_19 = tpu.memref_slice %arg6[%dma_start3A, %dma_start3A_17, %dma_start3A_18] : memref<4x50x128xf32, #tpu.memory_space<vmem>> -> memref<1x50x128xf32, #tpu.memory_space<vmem>>
      %dma_start3A_20 = tpu.memref_squeeze %dma_start3A_19 : memref<1x50x128xf32, #tpu.memory_space<vmem>> -> memref<50x128xf32, #tpu.memory_space<vmem>>
      %dma_start3A_21 = arith.constant 0 : i32
      %dma_start3A_22 = tpu.memref_slice %arg5[%add3A_16, %dma_start3A_21] : memref<128x56xi32, #tpu.memory_space<vmem>> -> memref<1x50xi32, #tpu.memory_space<vmem>>
      %dma_start3A_23 = tpu.memref_squeeze %dma_start3A_22 : memref<1x50xi32, #tpu.memory_space<vmem>> -> memref<50xi32, #tpu.memory_space<vmem>>
      %dma_start3A_24 = arith.constant 0 : i32
      %dma_start3A_25 = arith.constant 0 : i32
      %dma_start3A_26 = tpu.memref_slice %arg3[%dma_start3A_24, %dma_start3A_25] : memref<100000x128xf32, #tpu.memory_space<hbm>> -> memref<100000x128xf32, #tpu.memory_space<hbm>>
      tpu.enqueue_indirect_dma source(%dma_start3A_26 : memref<100000x128xf32, #tpu.memory_space<hbm>>) target(%dma_start3A_20 : memref<50x128xf32, #tpu.memory_space<vmem>>) offsets(%dma_start3A_23 : memref<50xi32, #tpu.memory_space<vmem>>) semaphore(%arg10 : memref<!tpu.dma_semaphore, #tpu.memory_space<semaphore_mem>>)
      %add3A_27 = arith.constant 0 : i32
      %add3A_28 = arith.addi %mul3A_10, %add3A_27 : i32
      %mul3A_29 = arith.constant 4 : i32
      %mul3A_30 = arith.muli %add3A_28, %mul3A_29 : i32
      %add3A_31 = arith.constant 1 : i32
      %add3A_32 = arith.addi %mul3A_30, %add3A_31 : i32
      %dma_start3A_33 = arith.constant 1 : i32
      %dma_start3A_34 = arith.constant 0 : i32
      %dma_start3A_35 = arith.constant 0 : i32
      %dma_start3A_36 = tpu.memref_slice %arg6[%dma_start3A_33, %dma_start3A_34, %dma_start3A_35] : memref<4x50x128xf32, #tpu.memory_space<vmem>> -> memref<1x50x128xf32, #tpu.memory_space<vmem>>
      %dma_start3A_37 = tpu.memref_squeeze %dma_start3A_36 : memref<1x50x128xf32, #tpu.memory_space<vmem>> -> memref<50x128xf32, #tpu.memory_space<vmem>>
      %dma_start3A_38 = arith.constant 0 : i32
      %dma_start3A_39 = tpu.memref_slice %arg5[%add3A_32, %dma_start3A_38] : memref<128x56xi32, #tpu.memory_space<vmem>> -> memref<1x50xi32, #tpu.memory_space<vmem>>
      %dma_start3A_40 = tpu.memref_squeeze %dma_start3A_39 : memref<1x50xi32, #tpu.memory_space<vmem>> -> memref<50xi32, #tpu.memory_space<vmem>>
      %dma_start3A_41 = arith.constant 0 : i32
      %dma_start3A_42 = arith.constant 0 : i32
      %dma_start3A_43 = tpu.memref_slice %arg3[%dma_start3A_41, %dma_start3A_42] : memref<100000x128xf32, #tpu.memory_space<hbm>> -> memref<100000x128xf32, #tpu.memory_space<hbm>>
      tpu.enqueue_indirect_dma source(%dma_start3A_43 : memref<100000x128xf32, #tpu.memory_space<hbm>>) target(%dma_start3A_37 : memref<50x128xf32, #tpu.memory_space<vmem>>) offsets(%dma_start3A_40 : memref<50xi32, #tpu.memory_space<vmem>>) semaphore(%arg10 : memref<!tpu.dma_semaphore, #tpu.memory_space<semaphore_mem>>)
      %add3A_44 = arith.constant 0 : i32
      %add3A_45 = arith.addi %mul3A_10, %add3A_44 : i32
      %mul3A_46 = arith.constant 4 : i32
      %mul3A_47 = arith.muli %add3A_45, %mul3A_46 : i32
      %add3A_48 = arith.constant 2 : i32
      %add3A_49 = arith.addi %mul3A_47, %add3A_48 : i32
      %dma_start3A_50 = arith.constant 2 : i32
      %dma_start3A_51 = arith.constant 0 : i32
      %dma_start3A_52 = arith.constant 0 : i32
      %dma_start3A_53 = tpu.memref_slice %arg6[%dma_start3A_50, %dma_start3A_51, %dma_start3A_52] : memref<4x50x128xf32, #tpu.memory_space<vmem>> -> memref<1x50x128xf32, #tpu.memory_space<vmem>>
      %dma_start3A_54 = tpu.memref_squeeze %dma_start3A_53 : memref<1x50x128xf32, #tpu.memory_space<vmem>> -> memref<50x128xf32, #tpu.memory_space<vmem>>
      %dma_start3A_55 = arith.constant 0 : i32
      %dma_start3A_56 = tpu.memref_slice %arg5[%add3A_49, %dma_start3A_55] : memref<128x56xi32, #tpu.memory_space<vmem>> -> memref<1x50xi32, #tpu.memory_space<vmem>>
      %dma_start3A_57 = tpu.memref_squeeze %dma_start3A_56 : memref<1x50xi32, #tpu.memory_space<vmem>> -> memref<50xi32, #tpu.memory_space<vmem>>
      %dma_start3A_58 = arith.constant 0 : i32
      %dma_start3A_59 = arith.constant 0 : i32
      %dma_start3A_60 = tpu.memref_slice %arg3[%dma_start3A_58, %dma_start3A_59] : memref<100000x128xf32, #tpu.memory_space<hbm>> -> memref<100000x128xf32, #tpu.memory_space<hbm>>
      tpu.enqueue_indirect_dma source(%dma_start3A_60 : memref<100000x128xf32, #tpu.memory_space<hbm>>) target(%dma_start3A_54 : memref<50x128xf32, #tpu.memory_space<vmem>>) offsets(%dma_start3A_57 : memref<50xi32, #tpu.memory_space<vmem>>) semaphore(%arg10 : memref<!tpu.dma_semaphore, #tpu.memory_space<semaphore_mem>>)
      %add3A_61 = arith.constant 0 : i32
      %add3A_62 = arith.addi %mul3A_10, %add3A_61 : i32
      %mul3A_63 = arith.constant 4 : i32
      %mul3A_64 = arith.muli %add3A_62, %mul3A_63 : i32
      %add3A_65 = arith.constant 3 : i32
      %add3A_66 = arith.addi %mul3A_64, %add3A_65 : i32
      %dma_start3A_67 = arith.constant 3 : i32
      %dma_start3A_68 = arith.constant 0 : i32
      %dma_start3A_69 = arith.constant 0 : i32
      %dma_start3A_70 = tpu.memref_slice %arg6[%dma_start3A_67, %dma_start3A_68, %dma_start3A_69] : memref<4x50x128xf32, #tpu.memory_space<vmem>> -> memref<1x50x128xf32, #tpu.memory_space<vmem>>
      %dma_start3A_71 = tpu.memref_squeeze %dma_start3A_70 : memref<1x50x128xf32, #tpu.memory_space<vmem>> -> memref<50x128xf32, #tpu.memory_space<vmem>>
      %dma_start3A_72 = arith.constant 0 : i32
      %dma_start3A_73 = tpu.memref_slice %arg5[%add3A_66, %dma_start3A_72] : memref<128x56xi32, #tpu.memory_space<vmem>> -> memref<1x50xi32, #tpu.memory_space<vmem>>
      %dma_start3A_74 = tpu.memref_squeeze %dma_start3A_73 : memref<1x50xi32, #tpu.memory_space<vmem>> -> memref<50xi32, #tpu.memory_space<vmem>>
      %dma_start3A_75 = arith.constant 0 : i32
      %dma_start3A_76 = arith.constant 0 : i32
      %dma_start3A_77 = tpu.memref_slice %arg3[%dma_start3A_75, %dma_start3A_76] : memref<100000x128xf32, #tpu.memory_space<hbm>> -> memref<100000x128xf32, #tpu.memory_space<hbm>>
      tpu.enqueue_indirect_dma source(%dma_start3A_77 : memref<100000x128xf32, #tpu.memory_space<hbm>>) target(%dma_start3A_71 : memref<50x128xf32, #tpu.memory_space<vmem>>) offsets(%dma_start3A_74 : memref<50xi32, #tpu.memory_space<vmem>>) semaphore(%arg10 : memref<!tpu.dma_semaphore, #tpu.memory_space<semaphore_mem>>)
      %add3A_78 = arith.constant 1 : i32
      %add3A_79 = arith.addi %mul3A_10, %add3A_78 : i32
      %mul3A_80 = arith.constant 4 : i32
      %mul3A_81 = arith.muli %add3A_79, %mul3A_80 : i32
      %add3A_82 = arith.constant 0 : i32
      %add3A_83 = arith.addi %mul3A_81, %add3A_82 : i32
      %dma_start3A_84 = arith.constant 0 : i32
      %dma_start3A_85 = arith.constant 0 : i32
      %dma_start3A_86 = arith.constant 0 : i32
      %dma_start3A_87 = tpu.memref_slice %arg7[%dma_start3A_84, %dma_start3A_85, %dma_start3A_86] : memref<4x50x128xf32, #tpu.memory_space<vmem>> -> memref<1x50x128xf32, #tpu.memory_space<vmem>>
      %dma_start3A_88 = tpu.memref_squeeze %dma_start3A_87 : memref<1x50x128xf32, #tpu.memory_space<vmem>> -> memref<50x128xf32, #tpu.memory_space<vmem>>
      %dma_start3A_89 = arith.constant 0 : i32
      %dma_start3A_90 = tpu.memref_slice %arg5[%add3A_83, %dma_start3A_89] : memref<128x56xi32, #tpu.memory_space<vmem>> -> memref<1x50xi32, #tpu.memory_space<vmem>>
      %dma_start3A_91 = tpu.memref_squeeze %dma_start3A_90 : memref<1x50xi32, #tpu.memory_space<vmem>> -> memref<50xi32, #tpu.memory_space<vmem>>
      %dma_start3A_92 = arith.constant 0 : i32
      %dma_start3A_93 = arith.constant 0 : i32
      %dma_start3A_94 = tpu.memref_slice %arg3[%dma_start3A_92, %dma_start3A_93] : memref<100000x128xf32, #tpu.memory_space<hbm>> -> memref<100000x128xf32, #tpu.memory_space<hbm>>
      tpu.enqueue_indirect_dma source(%dma_start3A_94 : memref<100000x128xf32, #tpu.memory_space<hbm>>) target(%dma_start3A_88 : memref<50x128xf32, #tpu.memory_space<vmem>>) offsets(%dma_start3A_91 : memref<50xi32, #tpu.memory_space<vmem>>) semaphore(%arg11 : memref<!tpu.dma_semaphore, #tpu.memory_space<semaphore_mem>>)
      %add3A_95 = arith.constant 1 : i32
      %add3A_96 = arith.addi %mul3A_10, %add3A_95 : i32
      %mul3A_97 = arith.constant 4 : i32
      %mul3A_98 = arith.muli %add3A_96, %mul3A_97 : i32
      %add3A_99 = arith.constant 1 : i32
      %add3A_100 = arith.addi %mul3A_98, %add3A_99 : i32
      %dma_start3A_101 = arith.constant 1 : i32
      %dma_start3A_102 = arith.constant 0 : i32
      %dma_start3A_103 = arith.constant 0 : i32
      %dma_start3A_104 = tpu.memref_slice %arg7[%dma_start3A_101, %dma_start3A_102, %dma_start3A_103] : memref<4x50x128xf32, #tpu.memory_space<vmem>> -> memref<1x50x128xf32, #tpu.memory_space<vmem>>
      %dma_start3A_105 = tpu.memref_squeeze %dma_start3A_104 : memref<1x50x128xf32, #tpu.memory_space<vmem>> -> memref<50x128xf32, #tpu.memory_space<vmem>>
      %dma_start3A_106 = arith.constant 0 : i32
      %dma_start3A_107 = tpu.memref_slice %arg5[%add3A_100, %dma_start3A_106] : memref<128x56xi32, #tpu.memory_space<vmem>> -> memref<1x50xi32, #tpu.memory_space<vmem>>
      %dma_start3A_108 = tpu.memref_squeeze %dma_start3A_107 : memref<1x50xi32, #tpu.memory_space<vmem>> -> memref<50xi32, #tpu.memory_space<vmem>>
      %dma_start3A_109 = arith.constant 0 : i32
      %dma_start3A_110 = arith.constant 0 : i32
      %dma_start3A_111 = tpu.memref_slice %arg3[%dma_start3A_109, %dma_start3A_110] : memref<100000x128xf32, #tpu.memory_space<hbm>> -> memref<100000x128xf32, #tpu.memory_space<hbm>>
      tpu.enqueue_indirect_dma source(%dma_start3A_111 : memref<100000x128xf32, #tpu.memory_space<hbm>>) target(%dma_start3A_105 : memref<50x128xf32, #tpu.memory_space<vmem>>) offsets(%dma_start3A_108 : memref<50xi32, #tpu.memory_space<vmem>>) semaphore(%arg11 : memref<!tpu.dma_semaphore, #tpu.memory_space<semaphore_mem>>)
      %add3A_112 = arith.constant 1 : i32
      %add3A_113 = arith.addi %mul3A_10, %add3A_112 : i32
      %mul3A_114 = arith.constant 4 : i32
      %mul3A_115 = arith.muli %add3A_113, %mul3A_114 : i32
      %add3A_116 = arith.constant 2 : i32
      %add3A_117 = arith.addi %mul3A_115, %add3A_116 : i32
      %dma_start3A_118 = arith.constant 2 : i32
      %dma_start3A_119 = arith.constant 0 : i32
      %dma_start3A_120 = arith.constant 0 : i32
      %dma_start3A_121 = tpu.memref_slice %arg7[%dma_start3A_118, %dma_start3A_119, %dma_start3A_120] : memref<4x50x128xf32, #tpu.memory_space<vmem>> -> memref<1x50x128xf32, #tpu.memory_space<vmem>>
      %dma_start3A_122 = tpu.memref_squeeze %dma_start3A_121 : memref<1x50x128xf32, #tpu.memory_space<vmem>> -> memref<50x128xf32, #tpu.memory_space<vmem>>
      %dma_start3A_123 = arith.constant 0 : i32
      %dma_start3A_124 = tpu.memref_slice %arg5[%add3A_117, %dma_start3A_123] : memref<128x56xi32, #tpu.memory_space<vmem>> -> memref<1x50xi32, #tpu.memory_space<vmem>>
      %dma_start3A_125 = tpu.memref_squeeze %dma_start3A_124 : memref<1x50xi32, #tpu.memory_space<vmem>> -> memref<50xi32, #tpu.memory_space<vmem>>
      %dma_start3A_126 = arith.constant 0 : i32
      %dma_start3A_127 = arith.constant 0 : i32
      %dma_start3A_128 = tpu.memref_slice %arg3[%dma_start3A_126, %dma_start3A_127] : memref<100000x128xf32, #tpu.memory_space<hbm>> -> memref<100000x128xf32, #tpu.memory_space<hbm>>
      tpu.enqueue_indirect_dma source(%dma_start3A_128 : memref<100000x128xf32, #tpu.memory_space<hbm>>) target(%dma_start3A_122 : memref<50x128xf32, #tpu.memory_space<vmem>>) offsets(%dma_start3A_125 : memref<50xi32, #tpu.memory_space<vmem>>) semaphore(%arg11 : memref<!tpu.dma_semaphore, #tpu.memory_space<semaphore_mem>>)
      %add3A_129 = arith.constant 1 : i32
      %add3A_130 = arith.addi %mul3A_10, %add3A_129 : i32
      %mul3A_131 = arith.constant 4 : i32
      %mul3A_132 = arith.muli %add3A_130, %mul3A_131 : i32
      %add3A_133 = arith.constant 3 : i32
      %add3A_134 = arith.addi %mul3A_132, %add3A_133 : i32
      %dma_start3A_135 = arith.constant 3 : i32
      %dma_start3A_136 = arith.constant 0 : i32
      %dma_start3A_137 = arith.constant 0 : i32
      %dma_start3A_138 = tpu.memref_slice %arg7[%dma_start3A_135, %dma_start3A_136, %dma_start3A_137] : memref<4x50x128xf32, #tpu.memory_space<vmem>> -> memref<1x50x128xf32, #tpu.memory_space<vmem>>
      %dma_start3A_139 = tpu.memref_squeeze %dma_start3A_138 : memref<1x50x128xf32, #tpu.memory_space<vmem>> -> memref<50x128xf32, #tpu.memory_space<vmem>>
      %dma_start3A_140 = arith.constant 0 : i32
      %dma_start3A_141 = tpu.memref_slice %arg5[%add3A_134, %dma_start3A_140] : memref<128x56xi32, #tpu.memory_space<vmem>> -> memref<1x50xi32, #tpu.memory_space<vmem>>
      %dma_start3A_142 = tpu.memref_squeeze %dma_start3A_141 : memref<1x50xi32, #tpu.memory_space<vmem>> -> memref<50xi32, #tpu.memory_space<vmem>>
      %dma_start3A_143 = arith.constant 0 : i32
      %dma_start3A_144 = arith.constant 0 : i32
      %dma_start3A_145 = tpu.memref_slice %arg3[%dma_start3A_143, %dma_start3A_144] : memref<100000x128xf32, #tpu.memory_space<hbm>> -> memref<100000x128xf32, #tpu.memory_space<hbm>>
      tpu.enqueue_indirect_dma source(%dma_start3A_145 : memref<100000x128xf32, #tpu.memory_space<hbm>>) target(%dma_start3A_139 : memref<50x128xf32, #tpu.memory_space<vmem>>) offsets(%dma_start3A_142 : memref<50xi32, #tpu.memory_space<vmem>>) semaphore(%arg11 : memref<!tpu.dma_semaphore, #tpu.memory_space<semaphore_mem>>)
      %add3A_146 = arith.constant 2 : i32
      %add3A_147 = arith.addi %mul3A_10, %add3A_146 : i32
      %mul3A_148 = arith.constant 4 : i32
      %mul3A_149 = arith.muli %add3A_147, %mul3A_148 : i32
      %add3A_150 = arith.constant 0 : i32
      %add3A_151 = arith.addi %mul3A_149, %add3A_150 : i32
      %dma_start3A_152 = arith.constant 0 : i32
      %dma_start3A_153 = arith.constant 0 : i32
      %dma_start3A_154 = arith.constant 0 : i32
      %dma_start3A_155 = tpu.memref_slice %arg8[%dma_start3A_152, %dma_start3A_153, %dma_start3A_154] : memref<4x50x128xf32, #tpu.memory_space<vmem>> -> memref<1x50x128xf32, #tpu.memory_space<vmem>>
      %dma_start3A_156 = tpu.memref_squeeze %dma_start3A_155 : memref<1x50x128xf32, #tpu.memory_space<vmem>> -> memref<50x128xf32, #tpu.memory_space<vmem>>
      %dma_start3A_157 = arith.constant 0 : i32
      %dma_start3A_158 = tpu.memref_slice %arg5[%add3A_151, %dma_start3A_157] : memref<128x56xi32, #tpu.memory_space<vmem>> -> memref<1x50xi32, #tpu.memory_space<vmem>>
      %dma_start3A_159 = tpu.memref_squeeze %dma_start3A_158 : memref<1x50xi32, #tpu.memory_space<vmem>> -> memref<50xi32, #tpu.memory_space<vmem>>
      %dma_start3A_160 = arith.constant 0 : i32
      %dma_start3A_161 = arith.constant 0 : i32
      %dma_start3A_162 = tpu.memref_slice %arg3[%dma_start3A_160, %dma_start3A_161] : memref<100000x128xf32, #tpu.memory_space<hbm>> -> memref<100000x128xf32, #tpu.memory_space<hbm>>
      tpu.enqueue_indirect_dma source(%dma_start3A_162 : memref<100000x128xf32, #tpu.memory_space<hbm>>) target(%dma_start3A_156 : memref<50x128xf32, #tpu.memory_space<vmem>>) offsets(%dma_start3A_159 : memref<50xi32, #tpu.memory_space<vmem>>) semaphore(%arg12 : memref<!tpu.dma_semaphore, #tpu.memory_space<semaphore_mem>>)
      %add3A_163 = arith.constant 2 : i32
      %add3A_164 = arith.addi %mul3A_10, %add3A_163 : i32
      %mul3A_165 = arith.constant 4 : i32
      %mul3A_166 = arith.muli %add3A_164, %mul3A_165 : i32
      %add3A_167 = arith.constant 1 : i32
      %add3A_168 = arith.addi %mul3A_166, %add3A_167 : i32
      %dma_start3A_169 = arith.constant 1 : i32
      %dma_start3A_170 = arith.constant 0 : i32
      %dma_start3A_171 = arith.constant 0 : i32
      %dma_start3A_172 = tpu.memref_slice %arg8[%dma_start3A_169, %dma_start3A_170, %dma_start3A_171] : memref<4x50x128xf32, #tpu.memory_space<vmem>> -> memref<1x50x128xf32, #tpu.memory_space<vmem>>
      %dma_start3A_173 = tpu.memref_squeeze %dma_start3A_172 : memref<1x50x128xf32, #tpu.memory_space<vmem>> -> memref<50x128xf32, #tpu.memory_space<vmem>>
      %dma_start3A_174 = arith.constant 0 : i32
      %dma_start3A_175 = tpu.memref_slice %arg5[%add3A_168, %dma_start3A_174] : memref<128x56xi32, #tpu.memory_space<vmem>> -> memref<1x50xi32, #tpu.memory_space<vmem>>
      %dma_start3A_176 = tpu.memref_squeeze %dma_start3A_175 : memref<1x50xi32, #tpu.memory_space<vmem>> -> memref<50xi32, #tpu.memory_space<vmem>>
      %dma_start3A_177 = arith.constant 0 : i32
      %dma_start3A_178 = arith.constant 0 : i32
      %dma_start3A_179 = tpu.memref_slice %arg3[%dma_start3A_177, %dma_start3A_178] : memref<100000x128xf32, #tpu.memory_space<hbm>> -> memref<100000x128xf32, #tpu.memory_space<hbm>>
      tpu.enqueue_indirect_dma source(%dma_start3A_179 : memref<100000x128xf32, #tpu.memory_space<hbm>>) target(%dma_start3A_173 : memref<50x128xf32, #tpu.memory_space<vmem>>) offsets(%dma_start3A_176 : memref<50xi32, #tpu.memory_space<vmem>>) semaphore(%arg12 : memref<!tpu.dma_semaphore, #tpu.memory_space<semaphore_mem>>)
      %add3A_180 = arith.constant 2 : i32
      %add3A_181 = arith.addi %mul3A_10, %add3A_180 : i32
      %mul3A_182 = arith.constant 4 : i32
      %mul3A_183 = arith.muli %add3A_181, %mul3A_182 : i32
      %add3A_184 = arith.constant 2 : i32
      %add3A_185 = arith.addi %mul3A_183, %add3A_184 : i32
      %dma_start3A_186 = arith.constant 2 : i32
      %dma_start3A_187 = arith.constant 0 : i32
      %dma_start3A_188 = arith.constant 0 : i32
      %dma_start3A_189 = tpu.memref_slice %arg8[%dma_start3A_186, %dma_start3A_187, %dma_start3A_188] : memref<4x50x128xf32, #tpu.memory_space<vmem>> -> memref<1x50x128xf32, #tpu.memory_space<vmem>>
      %dma_start3A_190 = tpu.memref_squeeze %dma_start3A_189 : memref<1x50x128xf32, #tpu.memory_space<vmem>> -> memref<50x128xf32, #tpu.memory_space<vmem>>
      %dma_start3A_191 = arith.constant 0 : i32
      %dma_start3A_192 = tpu.memref_slice %arg5[%add3A_185, %dma_start3A_191] : memref<128x56xi32, #tpu.memory_space<vmem>> -> memref<1x50xi32, #tpu.memory_space<vmem>>
      %dma_start3A_193 = tpu.memref_squeeze %dma_start3A_192 : memref<1x50xi32, #tpu.memory_space<vmem>> -> memref<50xi32, #tpu.memory_space<vmem>>
      %dma_start3A_194 = arith.constant 0 : i32
      %dma_start3A_195 = arith.constant 0 : i32
      %dma_start3A_196 = tpu.memref_slice %arg3[%dma_start3A_194, %dma_start3A_195] : memref<100000x128xf32, #tpu.memory_space<hbm>> -> memref<100000x128xf32, #tpu.memory_space<hbm>>
      tpu.enqueue_indirect_dma source(%dma_start3A_196 : memref<100000x128xf32, #tpu.memory_space<hbm>>) target(%dma_start3A_190 : memref<50x128xf32, #tpu.memory_space<vmem>>) offsets(%dma_start3A_193 : memref<50xi32, #tpu.memory_space<vmem>>) semaphore(%arg12 : memref<!tpu.dma_semaphore, #tpu.memory_space<semaphore_mem>>)
      %add3A_197 = arith.constant 2 : i32
      %add3A_198 = arith.addi %mul3A_10, %add3A_197 : i32
      %mul3A_199 = arith.constant 4 : i32
      %mul3A_200 = arith.muli %add3A_198, %mul3A_199 : i32
      %add3A_201 = arith.constant 3 : i32
      %add3A_202 = arith.addi %mul3A_200, %add3A_201 : i32
      %dma_start3A_203 = arith.constant 3 : i32
      %dma_start3A_204 = arith.constant 0 : i32
      %dma_start3A_205 = arith.constant 0 : i32
      %dma_start3A_206 = tpu.memref_slice %arg8[%dma_start3A_203, %dma_start3A_204, %dma_start3A_205] : memref<4x50x128xf32, #tpu.memory_space<vmem>> -> memref<1x50x128xf32, #tpu.memory_space<vmem>>
      %dma_start3A_207 = tpu.memref_squeeze %dma_start3A_206 : memref<1x50x128xf32, #tpu.memory_space<vmem>> -> memref<50x128xf32, #tpu.memory_space<vmem>>
      %dma_start3A_208 = arith.constant 0 : i32
      %dma_start3A_209 = tpu.memref_slice %arg5[%add3A_202, %dma_start3A_208] : memref<128x56xi32, #tpu.memory_space<vmem>> -> memref<1x50xi32, #tpu.memory_space<vmem>>
      %dma_start3A_210 = tpu.memref_squeeze %dma_start3A_209 : memref<1x50xi32, #tpu.memory_space<vmem>> -> memref<50xi32, #tpu.memory_space<vmem>>
      %dma_start3A_211 = arith.constant 0 : i32
      %dma_start3A_212 = arith.constant 0 : i32
      %dma_start3A_213 = tpu.memref_slice %arg3[%dma_start3A_211, %dma_start3A_212] : memref<100000x128xf32, #tpu.memory_space<hbm>> -> memref<100000x128xf32, #tpu.memory_space<hbm>>
      tpu.enqueue_indirect_dma source(%dma_start3A_213 : memref<100000x128xf32, #tpu.memory_space<hbm>>) target(%dma_start3A_207 : memref<50x128xf32, #tpu.memory_space<vmem>>) offsets(%dma_start3A_210 : memref<50xi32, #tpu.memory_space<vmem>>) semaphore(%arg12 : memref<!tpu.dma_semaphore, #tpu.memory_space<semaphore_mem>>)
      %add3A_214 = arith.constant 3 : i32
      %add3A_215 = arith.addi %mul3A_10, %add3A_214 : i32
      %mul3A_216 = arith.constant 4 : i32
      %mul3A_217 = arith.muli %add3A_215, %mul3A_216 : i32
      %add3A_218 = arith.constant 0 : i32
      %add3A_219 = arith.addi %mul3A_217, %add3A_218 : i32
      %dma_start3A_220 = arith.constant 0 : i32
      %dma_start3A_221 = arith.constant 0 : i32
      %dma_start3A_222 = arith.constant 0 : i32
      %dma_start3A_223 = tpu.memref_slice %arg9[%dma_start3A_220, %dma_start3A_221, %dma_start3A_222] : memref<4x50x128xf32, #tpu.memory_space<vmem>> -> memref<1x50x128xf32, #tpu.memory_space<vmem>>
      %dma_start3A_224 = tpu.memref_squeeze %dma_start3A_223 : memref<1x50x128xf32, #tpu.memory_space<vmem>> -> memref<50x128xf32, #tpu.memory_space<vmem>>
      %dma_start3A_225 = arith.constant 0 : i32
      %dma_start3A_226 = tpu.memref_slice %arg5[%add3A_219, %dma_start3A_225] : memref<128x56xi32, #tpu.memory_space<vmem>> -> memref<1x50xi32, #tpu.memory_space<vmem>>
      %dma_start3A_227 = tpu.memref_squeeze %dma_start3A_226 : memref<1x50xi32, #tpu.memory_space<vmem>> -> memref<50xi32, #tpu.memory_space<vmem>>
      %dma_start3A_228 = arith.constant 0 : i32
      %dma_start3A_229 = arith.constant 0 : i32
      %dma_start3A_230 = tpu.memref_slice %arg3[%dma_start3A_228, %dma_start3A_229] : memref<100000x128xf32, #tpu.memory_space<hbm>> -> memref<100000x128xf32, #tpu.memory_space<hbm>>
      tpu.enqueue_indirect_dma source(%dma_start3A_230 : memref<100000x128xf32, #tpu.memory_space<hbm>>) target(%dma_start3A_224 : memref<50x128xf32, #tpu.memory_space<vmem>>) offsets(%dma_start3A_227 : memref<50xi32, #tpu.memory_space<vmem>>) semaphore(%arg13 : memref<!tpu.dma_semaphore, #tpu.memory_space<semaphore_mem>>)
      %add3A_231 = arith.constant 3 : i32
      %add3A_232 = arith.addi %mul3A_10, %add3A_231 : i32
      %mul3A_233 = arith.constant 4 : i32
      %mul3A_234 = arith.muli %add3A_232, %mul3A_233 : i32
      %add3A_235 = arith.constant 1 : i32
      %add3A_236 = arith.addi %mul3A_234, %add3A_235 : i32
      %dma_start3A_237 = arith.constant 1 : i32
      %dma_start3A_238 = arith.constant 0 : i32
      %dma_start3A_239 = arith.constant 0 : i32
      %dma_start3A_240 = tpu.memref_slice %arg9[%dma_start3A_237, %dma_start3A_238, %dma_start3A_239] : memref<4x50x128xf32, #tpu.memory_space<vmem>> -> memref<1x50x128xf32, #tpu.memory_space<vmem>>
      %dma_start3A_241 = tpu.memref_squeeze %dma_start3A_240 : memref<1x50x128xf32, #tpu.memory_space<vmem>> -> memref<50x128xf32, #tpu.memory_space<vmem>>
      %dma_start3A_242 = arith.constant 0 : i32
      %dma_start3A_243 = tpu.memref_slice %arg5[%add3A_236, %dma_start3A_242] : memref<128x56xi32, #tpu.memory_space<vmem>> -> memref<1x50xi32, #tpu.memory_space<vmem>>
      %dma_start3A_244 = tpu.memref_squeeze %dma_start3A_243 : memref<1x50xi32, #tpu.memory_space<vmem>> -> memref<50xi32, #tpu.memory_space<vmem>>
      %dma_start3A_245 = arith.constant 0 : i32
      %dma_start3A_246 = arith.constant 0 : i32
      %dma_start3A_247 = tpu.memref_slice %arg3[%dma_start3A_245, %dma_start3A_246] : memref<100000x128xf32, #tpu.memory_space<hbm>> -> memref<100000x128xf32, #tpu.memory_space<hbm>>
      tpu.enqueue_indirect_dma source(%dma_start3A_247 : memref<100000x128xf32, #tpu.memory_space<hbm>>) target(%dma_start3A_241 : memref<50x128xf32, #tpu.memory_space<vmem>>) offsets(%dma_start3A_244 : memref<50xi32, #tpu.memory_space<vmem>>) semaphore(%arg13 : memref<!tpu.dma_semaphore, #tpu.memory_space<semaphore_mem>>)
      %add3A_248 = arith.constant 3 : i32
      %add3A_249 = arith.addi %mul3A_10, %add3A_248 : i32
      %mul3A_250 = arith.constant 4 : i32
      %mul3A_251 = arith.muli %add3A_249, %mul3A_250 : i32
      %add3A_252 = arith.constant 2 : i32
      %add3A_253 = arith.addi %mul3A_251, %add3A_252 : i32
      %dma_start3A_254 = arith.constant 2 : i32
      %dma_start3A_255 = arith.constant 0 : i32
      %dma_start3A_256 = arith.constant 0 : i32
      %dma_start3A_257 = tpu.memref_slice %arg9[%dma_start3A_254, %dma_start3A_255, %dma_start3A_256] : memref<4x50x128xf32, #tpu.memory_space<vmem>> -> memref<1x50x128xf32, #tpu.memory_space<vmem>>
      %dma_start3A_258 = tpu.memref_squeeze %dma_start3A_257 : memref<1x50x128xf32, #tpu.memory_space<vmem>> -> memref<50x128xf32, #tpu.memory_space<vmem>>
      %dma_start3A_259 = arith.constant 0 : i32
      %dma_start3A_260 = tpu.memref_slice %arg5[%add3A_253, %dma_start3A_259] : memref<128x56xi32, #tpu.memory_space<vmem>> -> memref<1x50xi32, #tpu.memory_space<vmem>>
      %dma_start3A_261 = tpu.memref_squeeze %dma_start3A_260 : memref<1x50xi32, #tpu.memory_space<vmem>> -> memref<50xi32, #tpu.memory_space<vmem>>
      %dma_start3A_262 = arith.constant 0 : i32
      %dma_start3A_263 = arith.constant 0 : i32
      %dma_start3A_264 = tpu.memref_slice %arg3[%dma_start3A_262, %dma_start3A_263] : memref<100000x128xf32, #tpu.memory_space<hbm>> -> memref<100000x128xf32, #tpu.memory_space<hbm>>
      tpu.enqueue_indirect_dma source(%dma_start3A_264 : memref<100000x128xf32, #tpu.memory_space<hbm>>) target(%dma_start3A_258 : memref<50x128xf32, #tpu.memory_space<vmem>>) offsets(%dma_start3A_261 : memref<50xi32, #tpu.memory_space<vmem>>) semaphore(%arg13 : memref<!tpu.dma_semaphore, #tpu.memory_space<semaphore_mem>>)
      %add3A_265 = arith.constant 3 : i32
      %add3A_266 = arith.addi %mul3A_10, %add3A_265 : i32
      %mul3A_267 = arith.constant 4 : i32
      %mul3A_268 = arith.muli %add3A_266, %mul3A_267 : i32
      %add3A_269 = arith.constant 3 : i32
      %add3A_270 = arith.addi %mul3A_268, %add3A_269 : i32
      %dma_start3A_271 = arith.constant 3 : i32
      %dma_start3A_272 = arith.constant 0 : i32
      %dma_start3A_273 = arith.constant 0 : i32
      %dma_start3A_274 = tpu.memref_slice %arg9[%dma_start3A_271, %dma_start3A_272, %dma_start3A_273] : memref<4x50x128xf32, #tpu.memory_space<vmem>> -> memref<1x50x128xf32, #tpu.memory_space<vmem>>
      %dma_start3A_275 = tpu.memref_squeeze %dma_start3A_274 : memref<1x50x128xf32, #tpu.memory_space<vmem>> -> memref<50x128xf32, #tpu.memory_space<vmem>>
      %dma_start3A_276 = arith.constant 0 : i32
      %dma_start3A_277 = tpu.memref_slice %arg5[%add3A_270, %dma_start3A_276] : memref<128x56xi32, #tpu.memory_space<vmem>> -> memref<1x50xi32, #tpu.memory_space<vmem>>
      %dma_start3A_278 = tpu.memref_squeeze %dma_start3A_277 : memref<1x50xi32, #tpu.memory_space<vmem>> -> memref<50xi32, #tpu.memory_space<vmem>>
      %dma_start3A_279 = arith.constant 0 : i32
      %dma_start3A_280 = arith.constant 0 : i32
      %dma_start3A_281 = tpu.memref_slice %arg3[%dma_start3A_279, %dma_start3A_280] : memref<100000x128xf32, #tpu.memory_space<hbm>> -> memref<100000x128xf32, #tpu.memory_space<hbm>>
      tpu.enqueue_indirect_dma source(%dma_start3A_281 : memref<100000x128xf32, #tpu.memory_space<hbm>>) target(%dma_start3A_275 : memref<50x128xf32, #tpu.memory_space<vmem>>) offsets(%dma_start3A_278 : memref<50xi32, #tpu.memory_space<vmem>>) semaphore(%arg13 : memref<!tpu.dma_semaphore, #tpu.memory_space<semaphore_mem>>)
      %dma_wait3A = arith.constant 0 : i32
      %dma_wait3A_282 = arith.constant 0 : i32
      %dma_wait3A_283 = arith.constant 0 : i32
      %dma_wait3A_284 = tpu.memref_slice %arg6[%dma_wait3A, %dma_wait3A_282, %dma_wait3A_283] : memref<4x50x128xf32, #tpu.memory_space<vmem>> -> memref<1x50x128xf32, #tpu.memory_space<vmem>>
      %dma_wait3A_285 = tpu.memref_squeeze %dma_wait3A_284 : memref<1x50x128xf32, #tpu.memory_space<vmem>> -> memref<50x128xf32, #tpu.memory_space<vmem>>
      %dma_wait3A_286 = arith.constant 0 : i32
      %dma_wait3A_287 = tpu.memref_slice %arg5[%add3A_16, %dma_wait3A_286] : memref<128x56xi32, #tpu.memory_space<vmem>> -> memref<1x50xi32, #tpu.memory_space<vmem>>
      %dma_wait3A_288 = tpu.memref_squeeze %dma_wait3A_287 : memref<1x50xi32, #tpu.memory_space<vmem>> -> memref<50xi32, #tpu.memory_space<vmem>>
      %dma_wait3A_289 = arith.constant 0 : i32
      %dma_wait3A_290 = arith.constant 0 : i32
      %dma_wait3A_291 = tpu.memref_slice %arg3[%dma_wait3A_289, %dma_wait3A_290] : memref<100000x128xf32, #tpu.memory_space<hbm>> -> memref<100000x128xf32, #tpu.memory_space<hbm>>
      tpu.wait_indirect_dma semaphore(%arg10 : memref<!tpu.dma_semaphore, #tpu.memory_space<semaphore_mem>>) src(%dma_wait3A_291 : memref<100000x128xf32, #tpu.memory_space<hbm>>) dst(%dma_wait3A_285 : memref<50x128xf32, #tpu.memory_space<vmem>>)
      %dma_wait3A_292 = arith.constant 1 : i32
      %dma_wait3A_293 = arith.constant 0 : i32
      %dma_wait3A_294 = arith.constant 0 : i32
      %dma_wait3A_295 = tpu.memref_slice %arg6[%dma_wait3A_292, %dma_wait3A_293, %dma_wait3A_294] : memref<4x50x128xf32, #tpu.memory_space<vmem>> -> memref<1x50x128xf32, #tpu.memory_space<vmem>>
      %dma_wait3A_296 = tpu.memref_squeeze %dma_wait3A_295 : memref<1x50x128xf32, #tpu.memory_space<vmem>> -> memref<50x128xf32, #tpu.memory_space<vmem>>
      %dma_wait3A_297 = arith.constant 0 : i32
      %dma_wait3A_298 = tpu.memref_slice %arg5[%add3A_32, %dma_wait3A_297] : memref<128x56xi32, #tpu.memory_space<vmem>> -> memref<1x50xi32, #tpu.memory_space<vmem>>
      %dma_wait3A_299 = tpu.memref_squeeze %dma_wait3A_298 : memref<1x50xi32, #tpu.memory_space<vmem>> -> memref<50xi32, #tpu.memory_space<vmem>>
      %dma_wait3A_300 = arith.constant 0 : i32
      %dma_wait3A_301 = arith.constant 0 : i32
      %dma_wait3A_302 = tpu.memref_slice %arg3[%dma_wait3A_300, %dma_wait3A_301] : memref<100000x128xf32, #tpu.memory_space<hbm>> -> memref<100000x128xf32, #tpu.memory_space<hbm>>
      tpu.wait_indirect_dma semaphore(%arg10 : memref<!tpu.dma_semaphore, #tpu.memory_space<semaphore_mem>>) src(%dma_wait3A_302 : memref<100000x128xf32, #tpu.memory_space<hbm>>) dst(%dma_wait3A_296 : memref<50x128xf32, #tpu.memory_space<vmem>>)
      %dma_wait3A_303 = arith.constant 2 : i32
      %dma_wait3A_304 = arith.constant 0 : i32
      %dma_wait3A_305 = arith.constant 0 : i32
      %dma_wait3A_306 = tpu.memref_slice %arg6[%dma_wait3A_303, %dma_wait3A_304, %dma_wait3A_305] : memref<4x50x128xf32, #tpu.memory_space<vmem>> -> memref<1x50x128xf32, #tpu.memory_space<vmem>>
      %dma_wait3A_307 = tpu.memref_squeeze %dma_wait3A_306 : memref<1x50x128xf32, #tpu.memory_space<vmem>> -> memref<50x128xf32, #tpu.memory_space<vmem>>
      %dma_wait3A_308 = arith.constant 0 : i32
      %dma_wait3A_309 = tpu.memref_slice %arg5[%add3A_49, %dma_wait3A_308] : memref<128x56xi32, #tpu.memory_space<vmem>> -> memref<1x50xi32, #tpu.memory_space<vmem>>
      %dma_wait3A_310 = tpu.memref_squeeze %dma_wait3A_309 : memref<1x50xi32, #tpu.memory_space<vmem>> -> memref<50xi32, #tpu.memory_space<vmem>>
      %dma_wait3A_311 = arith.constant 0 : i32
      %dma_wait3A_312 = arith.constant 0 : i32
      %dma_wait3A_313 = tpu.memref_slice %arg3[%dma_wait3A_311, %dma_wait3A_312] : memref<100000x128xf32, #tpu.memory_space<hbm>> -> memref<100000x128xf32, #tpu.memory_space<hbm>>
      tpu.wait_indirect_dma semaphore(%arg10 : memref<!tpu.dma_semaphore, #tpu.memory_space<semaphore_mem>>) src(%dma_wait3A_313 : memref<100000x128xf32, #tpu.memory_space<hbm>>) dst(%dma_wait3A_307 : memref<50x128xf32, #tpu.memory_space<vmem>>)
      %dma_wait3A_314 = arith.constant 3 : i32
      %dma_wait3A_315 = arith.constant 0 : i32
      %dma_wait3A_316 = arith.constant 0 : i32
      %dma_wait3A_317 = tpu.memref_slice %arg6[%dma_wait3A_314, %dma_wait3A_315, %dma_wait3A_316] : memref<4x50x128xf32, #tpu.memory_space<vmem>> -> memref<1x50x128xf32, #tpu.memory_space<vmem>>
      %dma_wait3A_318 = tpu.memref_squeeze %dma_wait3A_317 : memref<1x50x128xf32, #tpu.memory_space<vmem>> -> memref<50x128xf32, #tpu.memory_space<vmem>>
      %dma_wait3A_319 = arith.constant 0 : i32
      %dma_wait3A_320 = tpu.memref_slice %arg5[%add3A_66, %dma_wait3A_319] : memref<128x56xi32, #tpu.memory_space<vmem>> -> memref<1x50xi32, #tpu.memory_space<vmem>>
      %dma_wait3A_321 = tpu.memref_squeeze %dma_wait3A_320 : memref<1x50xi32, #tpu.memory_space<vmem>> -> memref<50xi32, #tpu.memory_space<vmem>>
      %dma_wait3A_322 = arith.constant 0 : i32
      %dma_wait3A_323 = arith.constant 0 : i32
      %dma_wait3A_324 = tpu.memref_slice %arg3[%dma_wait3A_322, %dma_wait3A_323] : memref<100000x128xf32, #tpu.memory_space<hbm>> -> memref<100000x128xf32, #tpu.memory_space<hbm>>
      tpu.wait_indirect_dma semaphore(%arg10 : memref<!tpu.dma_semaphore, #tpu.memory_space<semaphore_mem>>) src(%dma_wait3A_324 : memref<100000x128xf32, #tpu.memory_space<hbm>>) dst(%dma_wait3A_318 : memref<50x128xf32, #tpu.memory_space<vmem>>)
      %add3A_325 = arith.constant 0 : i32
      %add3A_326 = arith.addi %mul3A_10, %add3A_325 : i32
      %mul3A_327 = arith.constant 4 : i32
      %mul3A_328 = arith.muli %add3A_326, %mul3A_327 : i32
      %add3A_329 = arith.addi %mul3A_2, %mul3A_328 : i32
      %dma_start3A_330 = arith.constant 0 : i32
      %dma_start3A_331 = arith.constant 0 : i32
      %dma_start3A_332 = tpu.memref_slice %arg4[%add3A_329, %dma_start3A_330, %dma_start3A_331] : memref<4096x50x128xf32, #tpu.memory_space<hbm>> -> memref<4x50x128xf32, #tpu.memory_space<hbm>>
      %dma_start3A_333 = arith.constant 0 : i32
      %dma_start3A_334 = arith.constant 0 : i32
      %dma_start3A_335 = tpu.memref_slice %arg4[%add3A_329, %dma_start3A_333, %dma_start3A_334] : memref<4096x50x128xf32, #tpu.memory_space<hbm>> -> memref<4x50x128xf32, #tpu.memory_space<hbm>>
      tpu.enqueue_dma source(%arg6 : memref<4x50x128xf32, #tpu.memory_space<vmem>>) target(%dma_start3A_335 : memref<4x50x128xf32, #tpu.memory_space<hbm>>) target_semaphore(%arg14 : memref<!tpu.dma_semaphore, #tpu.memory_space<semaphore_mem>>)
      %dma_wait3A_336 = arith.constant 0 : i32
      %dma_wait3A_337 = arith.constant 0 : i32
      %dma_wait3A_338 = arith.constant 0 : i32
      %dma_wait3A_339 = tpu.memref_slice %arg7[%dma_wait3A_336, %dma_wait3A_337, %dma_wait3A_338] : memref<4x50x128xf32, #tpu.memory_space<vmem>> -> memref<1x50x128xf32, #tpu.memory_space<vmem>>
      %dma_wait3A_340 = tpu.memref_squeeze %dma_wait3A_339 : memref<1x50x128xf32, #tpu.memory_space<vmem>> -> memref<50x128xf32, #tpu.memory_space<vmem>>
      %dma_wait3A_341 = arith.constant 0 : i32
      %dma_wait3A_342 = tpu.memref_slice %arg5[%add3A_83, %dma_wait3A_341] : memref<128x56xi32, #tpu.memory_space<vmem>> -> memref<1x50xi32, #tpu.memory_space<vmem>>
      %dma_wait3A_343 = tpu.memref_squeeze %dma_wait3A_342 : memref<1x50xi32, #tpu.memory_space<vmem>> -> memref<50xi32, #tpu.memory_space<vmem>>
      %dma_wait3A_344 = arith.constant 0 : i32
      %dma_wait3A_345 = arith.constant 0 : i32
      %dma_wait3A_346 = tpu.memref_slice %arg3[%dma_wait3A_344, %dma_wait3A_345] : memref<100000x128xf32, #tpu.memory_space<hbm>> -> memref<100000x128xf32, #tpu.memory_space<hbm>>
      tpu.wait_indirect_dma semaphore(%arg11 : memref<!tpu.dma_semaphore, #tpu.memory_space<semaphore_mem>>) src(%dma_wait3A_346 : memref<100000x128xf32, #tpu.memory_space<hbm>>) dst(%dma_wait3A_340 : memref<50x128xf32, #tpu.memory_space<vmem>>)
      %dma_wait3A_347 = arith.constant 1 : i32
      %dma_wait3A_348 = arith.constant 0 : i32
      %dma_wait3A_349 = arith.constant 0 : i32
      %dma_wait3A_350 = tpu.memref_slice %arg7[%dma_wait3A_347, %dma_wait3A_348, %dma_wait3A_349] : memref<4x50x128xf32, #tpu.memory_space<vmem>> -> memref<1x50x128xf32, #tpu.memory_space<vmem>>
      %dma_wait3A_351 = tpu.memref_squeeze %dma_wait3A_350 : memref<1x50x128xf32, #tpu.memory_space<vmem>> -> memref<50x128xf32, #tpu.memory_space<vmem>>
      %dma_wait3A_352 = arith.constant 0 : i32
      %dma_wait3A_353 = tpu.memref_slice %arg5[%add3A_100, %dma_wait3A_352] : memref<128x56xi32, #tpu.memory_space<vmem>> -> memref<1x50xi32, #tpu.memory_space<vmem>>
      %dma_wait3A_354 = tpu.memref_squeeze %dma_wait3A_353 : memref<1x50xi32, #tpu.memory_space<vmem>> -> memref<50xi32, #tpu.memory_space<vmem>>
      %dma_wait3A_355 = arith.constant 0 : i32
      %dma_wait3A_356 = arith.constant 0 : i32
      %dma_wait3A_357 = tpu.memref_slice %arg3[%dma_wait3A_355, %dma_wait3A_356] : memref<100000x128xf32, #tpu.memory_space<hbm>> -> memref<100000x128xf32, #tpu.memory_space<hbm>>
      tpu.wait_indirect_dma semaphore(%arg11 : memref<!tpu.dma_semaphore, #tpu.memory_space<semaphore_mem>>) src(%dma_wait3A_357 : memref<100000x128xf32, #tpu.memory_space<hbm>>) dst(%dma_wait3A_351 : memref<50x128xf32, #tpu.memory_space<vmem>>)
      %dma_wait3A_358 = arith.constant 2 : i32
      %dma_wait3A_359 = arith.constant 0 : i32
      %dma_wait3A_360 = arith.constant 0 : i32
      %dma_wait3A_361 = tpu.memref_slice %arg7[%dma_wait3A_358, %dma_wait3A_359, %dma_wait3A_360] : memref<4x50x128xf32, #tpu.memory_space<vmem>> -> memref<1x50x128xf32, #tpu.memory_space<vmem>>
      %dma_wait3A_362 = tpu.memref_squeeze %dma_wait3A_361 : memref<1x50x128xf32, #tpu.memory_space<vmem>> -> memref<50x128xf32, #tpu.memory_space<vmem>>
      %dma_wait3A_363 = arith.constant 0 : i32
      %dma_wait3A_364 = tpu.memref_slice %arg5[%add3A_117, %dma_wait3A_363] : memref<128x56xi32, #tpu.memory_space<vmem>> -> memref<1x50xi32, #tpu.memory_space<vmem>>
      %dma_wait3A_365 = tpu.memref_squeeze %dma_wait3A_364 : memref<1x50xi32, #tpu.memory_space<vmem>> -> memref<50xi32, #tpu.memory_space<vmem>>
      %dma_wait3A_366 = arith.constant 0 : i32
      %dma_wait3A_367 = arith.constant 0 : i32
      %dma_wait3A_368 = tpu.memref_slice %arg3[%dma_wait3A_366, %dma_wait3A_367] : memref<100000x128xf32, #tpu.memory_space<hbm>> -> memref<100000x128xf32, #tpu.memory_space<hbm>>
      tpu.wait_indirect_dma semaphore(%arg11 : memref<!tpu.dma_semaphore, #tpu.memory_space<semaphore_mem>>) src(%dma_wait3A_368 : memref<100000x128xf32, #tpu.memory_space<hbm>>) dst(%dma_wait3A_362 : memref<50x128xf32, #tpu.memory_space<vmem>>)
      %dma_wait3A_369 = arith.constant 3 : i32
      %dma_wait3A_370 = arith.constant 0 : i32
      %dma_wait3A_371 = arith.constant 0 : i32
      %dma_wait3A_372 = tpu.memref_slice %arg7[%dma_wait3A_369, %dma_wait3A_370, %dma_wait3A_371] : memref<4x50x128xf32, #tpu.memory_space<vmem>> -> memref<1x50x128xf32, #tpu.memory_space<vmem>>
      %dma_wait3A_373 = tpu.memref_squeeze %dma_wait3A_372 : memref<1x50x128xf32, #tpu.memory_space<vmem>> -> memref<50x128xf32, #tpu.memory_space<vmem>>
      %dma_wait3A_374 = arith.constant 0 : i32
      %dma_wait3A_375 = tpu.memref_slice %arg5[%add3A_134, %dma_wait3A_374] : memref<128x56xi32, #tpu.memory_space<vmem>> -> memref<1x50xi32, #tpu.memory_space<vmem>>
      %dma_wait3A_376 = tpu.memref_squeeze %dma_wait3A_375 : memref<1x50xi32, #tpu.memory_space<vmem>> -> memref<50xi32, #tpu.memory_space<vmem>>
      %dma_wait3A_377 = arith.constant 0 : i32
      %dma_wait3A_378 = arith.constant 0 : i32
      %dma_wait3A_379 = tpu.memref_slice %arg3[%dma_wait3A_377, %dma_wait3A_378] : memref<100000x128xf32, #tpu.memory_space<hbm>> -> memref<100000x128xf32, #tpu.memory_space<hbm>>
      tpu.wait_indirect_dma semaphore(%arg11 : memref<!tpu.dma_semaphore, #tpu.memory_space<semaphore_mem>>) src(%dma_wait3A_379 : memref<100000x128xf32, #tpu.memory_space<hbm>>) dst(%dma_wait3A_373 : memref<50x128xf32, #tpu.memory_space<vmem>>)
      %add3A_380 = arith.constant 1 : i32
      %add3A_381 = arith.addi %mul3A_10, %add3A_380 : i32
      %mul3A_382 = arith.constant 4 : i32
      %mul3A_383 = arith.muli %add3A_381, %mul3A_382 : i32
      %add3A_384 = arith.addi %mul3A_2, %mul3A_383 : i32
      %dma_start3A_385 = arith.constant 0 : i32
      %dma_start3A_386 = arith.constant 0 : i32
      %dma_start3A_387 = tpu.memref_slice %arg4[%add3A_384, %dma_start3A_385, %dma_start3A_386] : memref<4096x50x128xf32, #tpu.memory_space<hbm>> -> memref<4x50x128xf32, #tpu.memory_space<hbm>>
      %dma_start3A_388 = arith.constant 0 : i32
      %dma_start3A_389 = arith.constant 0 : i32
      %dma_start3A_390 = tpu.memref_slice %arg4[%add3A_384, %dma_start3A_388, %dma_start3A_389] : memref<4096x50x128xf32, #tpu.memory_space<hbm>> -> memref<4x50x128xf32, #tpu.memory_space<hbm>>
      tpu.enqueue_dma source(%arg7 : memref<4x50x128xf32, #tpu.memory_space<vmem>>) target(%dma_start3A_390 : memref<4x50x128xf32, #tpu.memory_space<hbm>>) target_semaphore(%arg15 : memref<!tpu.dma_semaphore, #tpu.memory_space<semaphore_mem>>)
      %dma_wait3A_391 = arith.constant 0 : i32
      %dma_wait3A_392 = arith.constant 0 : i32
      %dma_wait3A_393 = arith.constant 0 : i32
      %dma_wait3A_394 = tpu.memref_slice %arg8[%dma_wait3A_391, %dma_wait3A_392, %dma_wait3A_393] : memref<4x50x128xf32, #tpu.memory_space<vmem>> -> memref<1x50x128xf32, #tpu.memory_space<vmem>>
      %dma_wait3A_395 = tpu.memref_squeeze %dma_wait3A_394 : memref<1x50x128xf32, #tpu.memory_space<vmem>> -> memref<50x128xf32, #tpu.memory_space<vmem>>
      %dma_wait3A_396 = arith.constant 0 : i32
      %dma_wait3A_397 = tpu.memref_slice %arg5[%add3A_151, %dma_wait3A_396] : memref<128x56xi32, #tpu.memory_space<vmem>> -> memref<1x50xi32, #tpu.memory_space<vmem>>
      %dma_wait3A_398 = tpu.memref_squeeze %dma_wait3A_397 : memref<1x50xi32, #tpu.memory_space<vmem>> -> memref<50xi32, #tpu.memory_space<vmem>>
      %dma_wait3A_399 = arith.constant 0 : i32
      %dma_wait3A_400 = arith.constant 0 : i32
      %dma_wait3A_401 = tpu.memref_slice %arg3[%dma_wait3A_399, %dma_wait3A_400] : memref<100000x128xf32, #tpu.memory_space<hbm>> -> memref<100000x128xf32, #tpu.memory_space<hbm>>
      tpu.wait_indirect_dma semaphore(%arg12 : memref<!tpu.dma_semaphore, #tpu.memory_space<semaphore_mem>>) src(%dma_wait3A_401 : memref<100000x128xf32, #tpu.memory_space<hbm>>) dst(%dma_wait3A_395 : memref<50x128xf32, #tpu.memory_space<vmem>>)
      %dma_wait3A_402 = arith.constant 1 : i32
      %dma_wait3A_403 = arith.constant 0 : i32
      %dma_wait3A_404 = arith.constant 0 : i32
      %dma_wait3A_405 = tpu.memref_slice %arg8[%dma_wait3A_402, %dma_wait3A_403, %dma_wait3A_404] : memref<4x50x128xf32, #tpu.memory_space<vmem>> -> memref<1x50x128xf32, #tpu.memory_space<vmem>>
      %dma_wait3A_406 = tpu.memref_squeeze %dma_wait3A_405 : memref<1x50x128xf32, #tpu.memory_space<vmem>> -> memref<50x128xf32, #tpu.memory_space<vmem>>
      %dma_wait3A_407 = arith.constant 0 : i32
      %dma_wait3A_408 = tpu.memref_slice %arg5[%add3A_168, %dma_wait3A_407] : memref<128x56xi32, #tpu.memory_space<vmem>> -> memref<1x50xi32, #tpu.memory_space<vmem>>
      %dma_wait3A_409 = tpu.memref_squeeze %dma_wait3A_408 : memref<1x50xi32, #tpu.memory_space<vmem>> -> memref<50xi32, #tpu.memory_space<vmem>>
      %dma_wait3A_410 = arith.constant 0 : i32
      %dma_wait3A_411 = arith.constant 0 : i32
      %dma_wait3A_412 = tpu.memref_slice %arg3[%dma_wait3A_410, %dma_wait3A_411] : memref<100000x128xf32, #tpu.memory_space<hbm>> -> memref<100000x128xf32, #tpu.memory_space<hbm>>
      tpu.wait_indirect_dma semaphore(%arg12 : memref<!tpu.dma_semaphore, #tpu.memory_space<semaphore_mem>>) src(%dma_wait3A_412 : memref<100000x128xf32, #tpu.memory_space<hbm>>) dst(%dma_wait3A_406 : memref<50x128xf32, #tpu.memory_space<vmem>>)
      %dma_wait3A_413 = arith.constant 2 : i32
      %dma_wait3A_414 = arith.constant 0 : i32
      %dma_wait3A_415 = arith.constant 0 : i32
      %dma_wait3A_416 = tpu.memref_slice %arg8[%dma_wait3A_413, %dma_wait3A_414, %dma_wait3A_415] : memref<4x50x128xf32, #tpu.memory_space<vmem>> -> memref<1x50x128xf32, #tpu.memory_space<vmem>>
      %dma_wait3A_417 = tpu.memref_squeeze %dma_wait3A_416 : memref<1x50x128xf32, #tpu.memory_space<vmem>> -> memref<50x128xf32, #tpu.memory_space<vmem>>
      %dma_wait3A_418 = arith.constant 0 : i32
      %dma_wait3A_419 = tpu.memref_slice %arg5[%add3A_185, %dma_wait3A_418] : memref<128x56xi32, #tpu.memory_space<vmem>> -> memref<1x50xi32, #tpu.memory_space<vmem>>
      %dma_wait3A_420 = tpu.memref_squeeze %dma_wait3A_419 : memref<1x50xi32, #tpu.memory_space<vmem>> -> memref<50xi32, #tpu.memory_space<vmem>>
      %dma_wait3A_421 = arith.constant 0 : i32
      %dma_wait3A_422 = arith.constant 0 : i32
      %dma_wait3A_423 = tpu.memref_slice %arg3[%dma_wait3A_421, %dma_wait3A_422] : memref<100000x128xf32, #tpu.memory_space<hbm>> -> memref<100000x128xf32, #tpu.memory_space<hbm>>
      tpu.wait_indirect_dma semaphore(%arg12 : memref<!tpu.dma_semaphore, #tpu.memory_space<semaphore_mem>>) src(%dma_wait3A_423 : memref<100000x128xf32, #tpu.memory_space<hbm>>) dst(%dma_wait3A_417 : memref<50x128xf32, #tpu.memory_space<vmem>>)
      %dma_wait3A_424 = arith.constant 3 : i32
      %dma_wait3A_425 = arith.constant 0 : i32
      %dma_wait3A_426 = arith.constant 0 : i32
      %dma_wait3A_427 = tpu.memref_slice %arg8[%dma_wait3A_424, %dma_wait3A_425, %dma_wait3A_426] : memref<4x50x128xf32, #tpu.memory_space<vmem>> -> memref<1x50x128xf32, #tpu.memory_space<vmem>>
      %dma_wait3A_428 = tpu.memref_squeeze %dma_wait3A_427 : memref<1x50x128xf32, #tpu.memory_space<vmem>> -> memref<50x128xf32, #tpu.memory_space<vmem>>
      %dma_wait3A_429 = arith.constant 0 : i32
      %dma_wait3A_430 = tpu.memref_slice %arg5[%add3A_202, %dma_wait3A_429] : memref<128x56xi32, #tpu.memory_space<vmem>> -> memref<1x50xi32, #tpu.memory_space<vmem>>
      %dma_wait3A_431 = tpu.memref_squeeze %dma_wait3A_430 : memref<1x50xi32, #tpu.memory_space<vmem>> -> memref<50xi32, #tpu.memory_space<vmem>>
      %dma_wait3A_432 = arith.constant 0 : i32
      %dma_wait3A_433 = arith.constant 0 : i32
      %dma_wait3A_434 = tpu.memref_slice %arg3[%dma_wait3A_432, %dma_wait3A_433] : memref<100000x128xf32, #tpu.memory_space<hbm>> -> memref<100000x128xf32, #tpu.memory_space<hbm>>
      tpu.wait_indirect_dma semaphore(%arg12 : memref<!tpu.dma_semaphore, #tpu.memory_space<semaphore_mem>>) src(%dma_wait3A_434 : memref<100000x128xf32, #tpu.memory_space<hbm>>) dst(%dma_wait3A_428 : memref<50x128xf32, #tpu.memory_space<vmem>>)
      %add3A_435 = arith.constant 2 : i32
      %add3A_436 = arith.addi %mul3A_10, %add3A_435 : i32
      %mul3A_437 = arith.constant 4 : i32
      %mul3A_438 = arith.muli %add3A_436, %mul3A_437 : i32
      %add3A_439 = arith.addi %mul3A_2, %mul3A_438 : i32
      %dma_start3A_440 = arith.constant 0 : i32
      %dma_start3A_441 = arith.constant 0 : i32
      %dma_start3A_442 = tpu.memref_slice %arg4[%add3A_439, %dma_start3A_440, %dma_start3A_441] : memref<4096x50x128xf32, #tpu.memory_space<hbm>> -> memref<4x50x128xf32, #tpu.memory_space<hbm>>
      %dma_start3A_443 = arith.constant 0 : i32
      %dma_start3A_444 = arith.constant 0 : i32
      %dma_start3A_445 = tpu.memref_slice %arg4[%add3A_439, %dma_start3A_443, %dma_start3A_444] : memref<4096x50x128xf32, #tpu.memory_space<hbm>> -> memref<4x50x128xf32, #tpu.memory_space<hbm>>
      tpu.enqueue_dma source(%arg8 : memref<4x50x128xf32, #tpu.memory_space<vmem>>) target(%dma_start3A_445 : memref<4x50x128xf32, #tpu.memory_space<hbm>>) target_semaphore(%arg16 : memref<!tpu.dma_semaphore, #tpu.memory_space<semaphore_mem>>)
      %dma_wait3A_446 = arith.constant 0 : i32
      %dma_wait3A_447 = arith.constant 0 : i32
      %dma_wait3A_448 = arith.constant 0 : i32
      %dma_wait3A_449 = tpu.memref_slice %arg9[%dma_wait3A_446, %dma_wait3A_447, %dma_wait3A_448] : memref<4x50x128xf32, #tpu.memory_space<vmem>> -> memref<1x50x128xf32, #tpu.memory_space<vmem>>
      %dma_wait3A_450 = tpu.memref_squeeze %dma_wait3A_449 : memref<1x50x128xf32, #tpu.memory_space<vmem>> -> memref<50x128xf32, #tpu.memory_space<vmem>>
      %dma_wait3A_451 = arith.constant 0 : i32
      %dma_wait3A_452 = tpu.memref_slice %arg5[%add3A_219, %dma_wait3A_451] : memref<128x56xi32, #tpu.memory_space<vmem>> -> memref<1x50xi32, #tpu.memory_space<vmem>>
      %dma_wait3A_453 = tpu.memref_squeeze %dma_wait3A_452 : memref<1x50xi32, #tpu.memory_space<vmem>> -> memref<50xi32, #tpu.memory_space<vmem>>
      %dma_wait3A_454 = arith.constant 0 : i32
      %dma_wait3A_455 = arith.constant 0 : i32
      %dma_wait3A_456 = tpu.memref_slice %arg3[%dma_wait3A_454, %dma_wait3A_455] : memref<100000x128xf32, #tpu.memory_space<hbm>> -> memref<100000x128xf32, #tpu.memory_space<hbm>>
      tpu.wait_indirect_dma semaphore(%arg13 : memref<!tpu.dma_semaphore, #tpu.memory_space<semaphore_mem>>) src(%dma_wait3A_456 : memref<100000x128xf32, #tpu.memory_space<hbm>>) dst(%dma_wait3A_450 : memref<50x128xf32, #tpu.memory_space<vmem>>)
      %dma_wait3A_457 = arith.constant 1 : i32
      %dma_wait3A_458 = arith.constant 0 : i32
      %dma_wait3A_459 = arith.constant 0 : i32
      %dma_wait3A_460 = tpu.memref_slice %arg9[%dma_wait3A_457, %dma_wait3A_458, %dma_wait3A_459] : memref<4x50x128xf32, #tpu.memory_space<vmem>> -> memref<1x50x128xf32, #tpu.memory_space<vmem>>
      %dma_wait3A_461 = tpu.memref_squeeze %dma_wait3A_460 : memref<1x50x128xf32, #tpu.memory_space<vmem>> -> memref<50x128xf32, #tpu.memory_space<vmem>>
      %dma_wait3A_462 = arith.constant 0 : i32
      %dma_wait3A_463 = tpu.memref_slice %arg5[%add3A_236, %dma_wait3A_462] : memref<128x56xi32, #tpu.memory_space<vmem>> -> memref<1x50xi32, #tpu.memory_space<vmem>>
      %dma_wait3A_464 = tpu.memref_squeeze %dma_wait3A_463 : memref<1x50xi32, #tpu.memory_space<vmem>> -> memref<50xi32, #tpu.memory_space<vmem>>
      %dma_wait3A_465 = arith.constant 0 : i32
      %dma_wait3A_466 = arith.constant 0 : i32
      %dma_wait3A_467 = tpu.memref_slice %arg3[%dma_wait3A_465, %dma_wait3A_466] : memref<100000x128xf32, #tpu.memory_space<hbm>> -> memref<100000x128xf32, #tpu.memory_space<hbm>>
      tpu.wait_indirect_dma semaphore(%arg13 : memref<!tpu.dma_semaphore, #tpu.memory_space<semaphore_mem>>) src(%dma_wait3A_467 : memref<100000x128xf32, #tpu.memory_space<hbm>>) dst(%dma_wait3A_461 : memref<50x128xf32, #tpu.memory_space<vmem>>)
      %dma_wait3A_468 = arith.constant 2 : i32
      %dma_wait3A_469 = arith.constant 0 : i32
      %dma_wait3A_470 = arith.constant 0 : i32
      %dma_wait3A_471 = tpu.memref_slice %arg9[%dma_wait3A_468, %dma_wait3A_469, %dma_wait3A_470] : memref<4x50x128xf32, #tpu.memory_space<vmem>> -> memref<1x50x128xf32, #tpu.memory_space<vmem>>
      %dma_wait3A_472 = tpu.memref_squeeze %dma_wait3A_471 : memref<1x50x128xf32, #tpu.memory_space<vmem>> -> memref<50x128xf32, #tpu.memory_space<vmem>>
      %dma_wait3A_473 = arith.constant 0 : i32
      %dma_wait3A_474 = tpu.memref_slice %arg5[%add3A_253, %dma_wait3A_473] : memref<128x56xi32, #tpu.memory_space<vmem>> -> memref<1x50xi32, #tpu.memory_space<vmem>>
      %dma_wait3A_475 = tpu.memref_squeeze %dma_wait3A_474 : memref<1x50xi32, #tpu.memory_space<vmem>> -> memref<50xi32, #tpu.memory_space<vmem>>
      %dma_wait3A_476 = arith.constant 0 : i32
      %dma_wait3A_477 = arith.constant 0 : i32
      %dma_wait3A_478 = tpu.memref_slice %arg3[%dma_wait3A_476, %dma_wait3A_477] : memref<100000x128xf32, #tpu.memory_space<hbm>> -> memref<100000x128xf32, #tpu.memory_space<hbm>>
      tpu.wait_indirect_dma semaphore(%arg13 : memref<!tpu.dma_semaphore, #tpu.memory_space<semaphore_mem>>) src(%dma_wait3A_478 : memref<100000x128xf32, #tpu.memory_space<hbm>>) dst(%dma_wait3A_472 : memref<50x128xf32, #tpu.memory_space<vmem>>)
      %dma_wait3A_479 = arith.constant 3 : i32
      %dma_wait3A_480 = arith.constant 0 : i32
      %dma_wait3A_481 = arith.constant 0 : i32
      %dma_wait3A_482 = tpu.memref_slice %arg9[%dma_wait3A_479, %dma_wait3A_480, %dma_wait3A_481] : memref<4x50x128xf32, #tpu.memory_space<vmem>> -> memref<1x50x128xf32, #tpu.memory_space<vmem>>
      %dma_wait3A_483 = tpu.memref_squeeze %dma_wait3A_482 : memref<1x50x128xf32, #tpu.memory_space<vmem>> -> memref<50x128xf32, #tpu.memory_space<vmem>>
      %dma_wait3A_484 = arith.constant 0 : i32
      %dma_wait3A_485 = tpu.memref_slice %arg5[%add3A_270, %dma_wait3A_484] : memref<128x56xi32, #tpu.memory_space<vmem>> -> memref<1x50xi32, #tpu.memory_space<vmem>>
      %dma_wait3A_486 = tpu.memref_squeeze %dma_wait3A_485 : memref<1x50xi32, #tpu.memory_space<vmem>> -> memref<50xi32, #tpu.memory_space<vmem>>
      %dma_wait3A_487 = arith.constant 0 : i32
      %dma_wait3A_488 = arith.constant 0 : i32
      %dma_wait3A_489 = tpu.memref_slice %arg3[%dma_wait3A_487, %dma_wait3A_488] : memref<100000x128xf32, #tpu.memory_space<hbm>> -> memref<100000x128xf32, #tpu.memory_space<hbm>>
      tpu.wait_indirect_dma semaphore(%arg13 : memref<!tpu.dma_semaphore, #tpu.memory_space<semaphore_mem>>) src(%dma_wait3A_489 : memref<100000x128xf32, #tpu.memory_space<hbm>>) dst(%dma_wait3A_483 : memref<50x128xf32, #tpu.memory_space<vmem>>)
      %add3A_490 = arith.constant 3 : i32
      %add3A_491 = arith.addi %mul3A_10, %add3A_490 : i32
      %mul3A_492 = arith.constant 4 : i32
      %mul3A_493 = arith.muli %add3A_491, %mul3A_492 : i32
      %add3A_494 = arith.addi %mul3A_2, %mul3A_493 : i32
      %dma_start3A_495 = arith.constant 0 : i32
      %dma_start3A_496 = arith.constant 0 : i32
      %dma_start3A_497 = tpu.memref_slice %arg4[%add3A_494, %dma_start3A_495, %dma_start3A_496] : memref<4096x50x128xf32, #tpu.memory_space<hbm>> -> memref<4x50x128xf32, #tpu.memory_space<hbm>>
      %dma_start3A_498 = arith.constant 0 : i32
      %dma_start3A_499 = arith.constant 0 : i32
      %dma_start3A_500 = tpu.memref_slice %arg4[%add3A_494, %dma_start3A_498, %dma_start3A_499] : memref<4096x50x128xf32, #tpu.memory_space<hbm>> -> memref<4x50x128xf32, #tpu.memory_space<hbm>>
      tpu.enqueue_dma source(%arg9 : memref<4x50x128xf32, #tpu.memory_space<vmem>>) target(%dma_start3A_500 : memref<4x50x128xf32, #tpu.memory_space<hbm>>) target_semaphore(%arg17 : memref<!tpu.dma_semaphore, #tpu.memory_space<semaphore_mem>>)
      %dma_wait3A_501 = arith.constant 0 : i32
      %dma_wait3A_502 = arith.constant 0 : i32
      %dma_wait3A_503 = tpu.memref_slice %arg4[%add3A_329, %dma_wait3A_501, %dma_wait3A_502] : memref<4096x50x128xf32, #tpu.memory_space<hbm>> -> memref<4x50x128xf32, #tpu.memory_space<hbm>>
      %dma_wait3A_504 = arith.constant 0 : i32
      %dma_wait3A_505 = arith.constant 0 : i32
      %dma_wait3A_506 = tpu.memref_slice %arg4[%add3A_329, %dma_wait3A_504, %dma_wait3A_505] : memref<4096x50x128xf32, #tpu.memory_space<hbm>> -> memref<4x50x128xf32, #tpu.memory_space<hbm>>
      tpu.wait_dma2 semaphore(%arg14 : memref<!tpu.dma_semaphore, #tpu.memory_space<semaphore_mem>>) src(%arg6 : memref<4x50x128xf32, #tpu.memory_space<vmem>>) dst(%dma_wait3A_506 : memref<4x50x128xf32, #tpu.memory_space<hbm>>)
      %dma_wait3A_507 = arith.constant 0 : i32
      %dma_wait3A_508 = arith.constant 0 : i32
      %dma_wait3A_509 = tpu.memref_slice %arg4[%add3A_384, %dma_wait3A_507, %dma_wait3A_508] : memref<4096x50x128xf32, #tpu.memory_space<hbm>> -> memref<4x50x128xf32, #tpu.memory_space<hbm>>
      %dma_wait3A_510 = arith.constant 0 : i32
      %dma_wait3A_511 = arith.constant 0 : i32
      %dma_wait3A_512 = tpu.memref_slice %arg4[%add3A_384, %dma_wait3A_510, %dma_wait3A_511] : memref<4096x50x128xf32, #tpu.memory_space<hbm>> -> memref<4x50x128xf32, #tpu.memory_space<hbm>>
      tpu.wait_dma2 semaphore(%arg15 : memref<!tpu.dma_semaphore, #tpu.memory_space<semaphore_mem>>) src(%arg7 : memref<4x50x128xf32, #tpu.memory_space<vmem>>) dst(%dma_wait3A_512 : memref<4x50x128xf32, #tpu.memory_space<hbm>>)
      %dma_wait3A_513 = arith.constant 0 : i32
      %dma_wait3A_514 = arith.constant 0 : i32
      %dma_wait3A_515 = tpu.memref_slice %arg4[%add3A_439, %dma_wait3A_513, %dma_wait3A_514] : memref<4096x50x128xf32, #tpu.memory_space<hbm>> -> memref<4x50x128xf32, #tpu.memory_space<hbm>>
      %dma_wait3A_516 = arith.constant 0 : i32
      %dma_wait3A_517 = arith.constant 0 : i32
      %dma_wait3A_518 = tpu.memref_slice %arg4[%add3A_439, %dma_wait3A_516, %dma_wait3A_517] : memref<4096x50x128xf32, #tpu.memory_space<hbm>> -> memref<4x50x128xf32, #tpu.memory_space<hbm>>
      tpu.wait_dma2 semaphore(%arg16 : memref<!tpu.dma_semaphore, #tpu.memory_space<semaphore_mem>>) src(%arg8 : memref<4x50x128xf32, #tpu.memory_space<vmem>>) dst(%dma_wait3A_518 : memref<4x50x128xf32, #tpu.memory_space<hbm>>)
      %dma_wait3A_519 = arith.constant 0 : i32
      %dma_wait3A_520 = arith.constant 0 : i32
      %dma_wait3A_521 = tpu.memref_slice %arg4[%add3A_494, %dma_wait3A_519, %dma_wait3A_520] : memref<4096x50x128xf32, #tpu.memory_space<hbm>> -> memref<4x50x128xf32, #tpu.memory_space<hbm>>
      %dma_wait3A_522 = arith.constant 0 : i32
      %dma_wait3A_523 = arith.constant 0 : i32
      %dma_wait3A_524 = tpu.memref_slice %arg4[%add3A_494, %dma_wait3A_522, %dma_wait3A_523] : memref<4096x50x128xf32, #tpu.memory_space<hbm>> -> memref<4x50x128xf32, #tpu.memory_space<hbm>>
      tpu.wait_dma2 semaphore(%arg17 : memref<!tpu.dma_semaphore, #tpu.memory_space<semaphore_mem>>) src(%arg9 : memref<4x50x128xf32, #tpu.memory_space<vmem>>) dst(%dma_wait3A_524 : memref<4x50x128xf32, #tpu.memory_space<hbm>>)
    }
    %scan3A_7 = arith.constant 8 : i32
    return
  }
}

</mosaic_0001>

<sc_bundles>
// kernel: kernel.3.cloned.1.call-start
scs
__scs_entry_jumppad:
0x0: {  	(pc) =	sbr.rel $0x88, $3  }
0x1: {  	(tag) =	ssettag $0x0;
	lr =	simm.s32 $0x1  }
0x2: {  	[smem:$0x3F9F] =	sst lr;
	_ =	strace $0xD0000000  }
0x3: {  	_ = 	snop  }
0x4: {  	_ = 	snop  }
0x5: {  	_ = 	snop  }
0x6: {  	_ = 	snop  }
0x7: {  	_ = 	snop  }
__scs_overlays_trampoline_lowered:
0x8: {  	[smem:$0x3FAE] =	sst s0  }
0x9: {  	[smem:$0x3FAF] =	sst s1  }
0xa: {  	[smem:$0x3FB0] =	sst s2  }
0xb: {  	[smem:$0x3FB1] =	sst s3  }
0xc: {  	[smem:$0x3FB2] =	sst s4  }
0xd: {  	[smem:$0x3FB3] =	sst s5  }
0xe: {  	[smem:$0x3FB4] =	sst s6  }
0xf: {  	[smem:$0x3FB5] =	sst s7  }
0x10: {  	[smem:$0x3FB6] =	sst s8  }
0x11: {  	[smem:$0x3FB7] =	sst s9;
	s0 =	simm.s32 @!p0 $0x0  }
0x12: {  	s1 =	sld [smem:$0x3F9D];
	s0 =	simm.s32 @p0 $0x1  }
0x13: {  	[smem:$0x3FB8] =	sst s0;
	s0 =	simm.s32 @!p1 $0x0  }
0x14: {  	s2 =	sld [smem:$0x3F9C];
	s0 =	simm.s32 @p1 $0x1  }
0x15: {  	[smem:$0x3FB9] =	sst s0;
	s0 =	simm.s32 @!p2 $0x0  }
0x16: {  	s3 =	sld [smem:$0x3FDB];
	s0 =	simm.s32 @p2 $0x1  }
0x17: {  	s4 =	simm.s32 $0x1BF5;
	[smem:$0x3FBB] =	sst s0  }
0x18: {  	s0 =	sld [smem:$0x3F9E];
	_ =	swait.ge [sflag:s4], $0x0  }
0x19: {  	s7 =	sld [smem:$0x3F9F]  }
0x1a: {  	s8 =	sadd.s32 $0xFFFFE003, lr  }
0x1b: {  	s9 =	sadd.s32 $0xFFFFFEF7, lr;
	s5 =	simm.s32 $0xFFFFFFFF;
	p2 =	slt.u32 s8, $0xFFFFF086  }
0x1c: {  	p1 =	slt.u32 s9, $0xF7A;
	s5 =	simm.s32 @!p2 $0x0  }
0x1d: {  	s5 =	simm.s32 @p1 $0x1;
	p0 =	seq.s32 s7, s2  }
0x1e: {  	s7 =	smul.u32 @!p0 $0xF7A, s2;
	p2 =	seq.s32 @!p0 s5, $0x0  }
0x1f: {  	s9 =	smul.u32 $0xF7A, s1;
	s8 =	simm.s32 @!p0 $0x1BF5;
	p2 =	por !p2, p0  }
0x20: {  	[sflag:s8] =	ssyncset.s32 @!p0 $0xFFFFF086;
	s6 =	sadd.s32 @!p0 s3, s7;
	s7 =	simm.s32 @!p0 $0x108  }
0x21: {  	s3 =	sadd.s32 s3, s9;
	s6 =	sadd.s32 @!p0 $0x88, s6;
	s7 =	simm.s32 @p2 $0x1082  }
0x22: {  	[simem:s7], [sflag:s8] =	dma.local @!p0 [hbm:s6], $0xF7A  }
0x23: {  	s9 =	sor.u32 $0xD0000000, s2;
	s6 =	simm.s32 $0x108;
	_ =	swait.ge @!p0 [sflag:s8], $0x0  }
0x24: {  	s3 =	sadd.s32 $0x88, s3;
	s6 =	simm.s32 @!p1 $0x1082;
	[sflag:s4] =	ssyncset.s32 $0xFFFFF086  }
0x25: {  	[simem:s6], [sflag:s4] =	dma.local [hbm:s3], $0xF7A  }
0x26: {  	[smem:$0x3F9F] =	sst s1;
	(tag) =	ssettag s2;
	_ =	strace s9  }
0x27: {  	s1 =	sld [smem:$0x3FAF]  }
0x28: {  	s2 =	sld [smem:$0x3FB0]  }
0x29: {  	s4 =	sld [smem:$0x3FB2]  }
0x2a: {  	p0 =	seq.s32 s5, $0x0;
	s5 =	sld [smem:$0x3FB3]  }
0x2b: {  	s6 =	sld [smem:$0x3FB4]  }
0x2c: {  	s7 =	sld [smem:$0x3FB5]  }
0x2d: {  	s3 =	simm.s32 $0x108;
	s8 =	sld [smem:$0x3FB6]  }
0x2e: {  	s3 =	simm.s32 @!p0 $0x1082;
	s9 =	sld [smem:$0x3FB7]  }
0x2f: {  	lr =	sadd.s32 s0, s3;
	s0 =	sld [smem:$0x3FAE]  }
0x30: {  	s3 =	sld [smem:$0x3FB1]  }
0x31: {  	[smem:$0x3FBA] =	sst s10  }
0x32: {  	s10 =	sld [smem:$0x3FB8];
	_ =	sdelay $0x3  }
0x33: {  	p0 =	seq.s32 s10, $0x1;
	s10 =	sld [smem:$0x3FBA];
	_ =	sdelay $0x3  }
0x34: {  	[smem:$0x3FBA] =	sst s10  }
0x35: {  	s10 =	sld [smem:$0x3FB9];
	_ =	sdelay $0x3  }
0x36: {  	p1 =	seq.s32 s10, $0x1;
	s10 =	sld [smem:$0x3FBA];
	_ =	sdelay $0x3  }
0x37: {  	[smem:$0x3FBA] =	sst s10  }
0x38: {  	s10 =	sld [smem:$0x3FBB]  }
0x39: {  	_ = 	snop;
	(pc) =	sbr.ind lr, $3  }
0x3a: {  	_ = 	snop  }
0x3b: {  	_ = 	snop  }
0x3c: {  	p2 =	seq.s32 s10, $0x1;
	s10 =	sld [smem:$0x3FBA]  }
0x3d: {  	_ =	shalt  }
0x3e: {  	_ =	shalt  }
0x3f: {  	_ =	shalt  }
0x40: {  	_ =	shalt  }
0x41: {  	_ =	shalt  }
0x42: {  	_ =	shalt  }
0x43: {  	_ =	shalt  }
0x44: {  	_ =	shalt  }
0x45: {  	_ =	shalt  }
0x46: {  	_ =	shalt  }
0x47: {  	_ =	shalt  }
0x48: {  	_ =	shalt  }
0x49: {  	_ =	shalt  }
0x4a: {  	_ =	shalt  }
0x4b: {  	_ =	shalt  }
0x4c: {  	_ =	shalt  }
0x4d: {  	_ =	shalt  }
0x4e: {  	_ =	shalt  }
0x4f: {  	_ =	shalt  }
0x50: {  	_ =	shalt  }
0x51: {  	_ =	shalt  }
0x52: {  	_ =	shalt  }
0x53: {  	_ =	shalt  }
0x54: {  	_ =	shalt  }
0x55: {  	_ =	shalt  }
0x56: {  	_ =	shalt  }
0x57: {  	_ =	shalt  }
0x58: {  	_ =	shalt  }
0x59: {  	_ =	shalt  }
0x5a: {  	_ =	shalt  }
0x5b: {  	_ =	shalt  }
0x5c: {  	_ =	shalt  }
0x5d: {  	_ =	shalt  }
0x5e: {  	_ =	shalt  }
0x5f: {  	_ =	shalt  }
0x60: {  	_ =	shalt  }
0x61: {  	_ =	shalt  }
0x62: {  	_ =	shalt  }
0x63: {  	_ =	shalt  }
0x64: {  	_ =	shalt  }
0x65: {  	_ =	shalt  }
0x66: {  	_ =	shalt  }
0x67: {  	_ =	shalt  }
0x68: {  	_ =	shalt  }
0x69: {  	_ =	shalt  }
0x6a: {  	_ =	shalt  }
0x6b: {  	_ =	shalt  }
0x6c: {  	_ =	shalt  }
0x6d: {  	_ =	shalt  }
0x6e: {  	_ =	shalt  }
0x6f: {  	_ =	shalt  }
0x70: {  	_ =	shalt  }
0x71: {  	_ =	shalt  }
0x72: {  	_ =	shalt  }
0x73: {  	_ =	shalt  }
0x74: {  	_ =	shalt  }
0x75: {  	_ =	shalt  }
0x76: {  	_ =	shalt  }
0x77: {  	_ =	shalt  }
0x78: {  	_ =	shalt  }
0x79: {  	_ =	shalt  }
0x7a: {  	_ =	shalt  }
0x7b: {  	_ =	shalt  }
0x7c: {  	_ =	shalt  }
0x7d: {  	_ =	shalt  }
0x7e: {  	_ =	shalt  }
0x7f: {  	_ =	shalt  }
0x80: {  	_ =	shalt  }
0x81: {  	_ =	shalt  }
0x82: {  	_ =	shalt  }
0x83: {  	_ =	shalt  }
0x84: {  	_ =	shalt  }
0x85: {  	_ =	shalt  }
0x86: {  	_ =	shalt  }
0x87: {  	_ =	shalt  }
.Lfunc_end0:
.L_simem_size_0:
called_computation_lowered:
.L_overlay_start_0:
0x88: {  	s2 =	sld [smem:$0x3FD9]  }
0x89: {  	s3 =	sld [smem:$0x3FFE];
	_ =	sdelay $0x1  }
0x8a: {  	s1 =	srdreg.scid  }
0x8b: {  	s0 =	sand.u32 $0x1, s1  }
0x8c: {  	s17 =	sshll.u32 s0, $0xA;
	s2 =	sadd.s32 s3, s2  }
0x8d: {  	s2 =	sadd.s32 s2, s17  }
0x8e: {  	[smem:$0x3FC6] =	sst s2  }
0x8f: {  	_ = 	snop  }
0x90: {  	s2 =	sld [smem:$0x3FC8]  }
0x91: {  	s18 =	sld [smem:$0x3FD0];
	(tm) =	ssettm $0x1  }
0x92: {  	s4 =	sld [smem:$0x3FFB];
	_ =	sdelay $0x3  }
0x93: {  	_ =	strace s4  }
0x94: {  	s4 =	sld [smem:$0x3FFC];
	_ =	sdelay $0x3  }
0x95: {  	_ =	strace s4  }
0x96: {  	s4 =	sld [smem:$0x3FFD];
	_ =	sdelay $0x3  }
0x97: {  	_ =	strace s4  }
0x98: {  	_ =	strace $0x8FFFFFFF  }
0x99: {  	s19 =	sld [smem:$0x3FDB];
	_ =	sdelay $0x1  }
0x9a: {  	s5 =	simm.s32 $_scs_section_size  }
0x9b: {  	s6 =	simm.s32 $_size__tile_overlayer_lowered;
	s7 =	simm.s32 $_tile_overlayer_lowered  }
0x9c: {  	s22 =	simm.s32 $0x1BFF;
	s21 =	sshll.u32 s7, $0x1;
	s4 =	sadd.s32 s5, s19  }
0x9d: {  	s8 =	simm.s32 $0x0;
	s20 =	sshll.u32 s6, $0x1;
	s6 =	sadd.s32 s21, s4  }
0x9e: {  	[timem:s8], [sflag:s22] =	dma.local [hbm:s6], s20  }
0x9f: {  	_ =	swait.ge [sflag:s22], s20  }
0xa0: {  	s5 =	ssub.s32 $0x0, s20;
	[sflag:s22] =	ssyncset.done $0x0  }
0xa1: {  	[sflag:s22] =	ssyncadd.s32 s5;
	_ =	sdelay $0x1  }
0xa2: {  	s23 =	simm.s32 $0x1B8B  }
0xa3: {  	_ =	swait.ge [sflag:s23], $0x1  }
0xa4: {  	[sflag:s23] =	ssyncset.done $0x0  }
0xa5: {  	s25 =	simm.s32 $0x1B8E;
	s24 =	sld [smem:$0x3FFE];
	[sflag:s23] =	ssyncadd.s32 $0xFFFFFFFF  }
0xa6: {  	s26 =	simm.s32 $execute0_lowered;
	[smem:$0x3FD2] =	sst s25  }
0xa7: {  	s6 =	sshll.u32 s26, $0x1;
	_ =	strace $0x80000046;
	[dreg:$0x1] =	wrdreg $0xFFFFFFFF  }
0xa8: {  	s28 =	simm.s32 $_size_execute0_lowered;
	s4 =	sadd.s32 s4, s6;
	[dreg:$0x0] =	wrdreg $0x0  }
0xa9: {  	s6 =	sshll.u32 s28, $0x1;
	[dreg:$0x2] =	wrdreg s4  }
0xaa: {  	[dreg:$0x3] =	wrdreg s6  }
0xab: {  	[dreg:$0x4] =	wrdreg $0xC0  }
0xac: {  	_ =	task [dreg:s8], $0x5FFFF  }
0xad: {  	[dreg:$0x1] =	wrdreg $0xFFFFFFFF  }
0xae: {  	[dreg:$0x0] =	wrdreg $0x60  }
0xaf: {  	[dreg:$0x2] =	wrdreg s18  }
0xb0: {  	[dreg:$0x3] =	wrdreg s2  }
0xb1: {  	[dreg:$0x4] =	wrdreg s24  }
0xb2: {  	[dreg:$0x5] =	wrdreg $0x9  }
0xb3: {  	_ =	task.clear_ibuf [dreg:s8], $0x6FFFF;
	_ =	strace $0x90000046  }
0xb4: {  	s29 =	simm.s32 $0x9;
	_ =	strace $0x80000048  }
0xb5: {  	_ =	swait.ge [sflag:s29], $0x1  }
0xb6: {  	[sflag:s29] =	ssyncadd.s32 $0xFFFFFFFF  }
0xb7: {  	_ =	strace $0x90000048  }
0xb8: {  	_ =	sfence  }
0xb9: {  	s30 =	sld [smem:$0x0];
	_ =	sdelay $0x2  }
0xba: {  	s31 =	sshll.u32 s1, $0xD;
	s1 =	sshrl.u32 s1, $0x2  }
0xbb: {  	s3 =	sand.u32 $0x4000, s31;
	s1 =	sadd.s32 s1, s30  }
0xbc: {  	s0 =	sor.u32 s3, s0;
	s1 =	sshll.u32 s1, $0x11  }
0xbd: {  	s0 =	sor.u32 s1, s0  }
0xbe: {  	s0 =	sadd.s32 $0x8F2B, s0  }
0xbf: {  	[sflag:s0] =	ssyncadd.remote.s32 $0x1  }
0xc0: {  	_ =	sfence.sel $0xFFFF  }
0xc1: {  	[dreg:$0x0] =	wrdreg $0xFFFFFFFF;
	(pc) =	sbr.abs _section_cstart, $3  }
0xc2: {  	[dreg:$0x1] =	wrdreg $0xFFFFFFFF  }
0xc3: {  	_ =	task.clear_ibuf [dreg:s8], $0x2FFFF;
	_ =	strace $0x9FFFFFFF  }
0xc4: {  	(tm) =	ssettm $0x7FFFFFFF  }
0xc5: {  	_ =	shalt  }
tec
execute0_lowered:
.L_overlay_start_1:
0x0: {  	(tag) =	ssettag $0x1  }
0x1: {  	s0 =	rddreg [dreg:$0x0]  }
0x2: {  	s1 =	rddreg [dreg:$0x1]  }
0x3: {  	s2 =	rddreg [dreg:$0x2];
	s3 =	simm.s32 $0x0  }
0x4: {  	s8 =	stileid.u32;
	s5 =	srdreg.scid;
	s28 =	simm.s32 $0x3  }
0x5: {  	s29 =	simm.s32 $0x4;
	s30 =	simm.s32 $0x5;
	s31 =	simm.s32 $0x6  }
0x6: {  	s23 =	simm.s32 $0x1AC00;
	[smem:$0x7FF] =	sst s3;
	s4 =	smul.u32 $0x38000, s8  }
0x7: {  	s5 =	sand.u32 $0x1, s5;
	s8 =	sshll.u32 s8, $0xC;
	_ =	strace $0x80000047  }
0x8: {  	s24 =	ssub.s32 $0x2, s5;
	s6 =	smul.u32 $0x1C000, s5;
	s5 =	sshll.u32 s5, $0xB  }
0x9: {  	s2 =	sadd.s32 s4, s2;
	s7 =	sshrl.u32 s24, $0x1;
	s5 =	sor.u32 s5, s8  }
0xa: {  	s8 =	simm.s32 $0x32;
	s4 =	ssub.s32 s24, s7;
	s2 =	sadd.s32 s6, s2  }
0xb: {  	s0 =	sadd.s32 s0, s5;
	s5 =	simm.s32 $0x0;
	s24 =	simm.s32 $0x1C800  }
0xc: {  	[dreg:$0x4] =	wrdreg s0;
	s25 =	smax.u32 s4, $0x1;
	s26 =	sadd.s32 $0x400, s2  }
0xd: {  	s0 =	simm.s32 $0x7;
	s2 =	simm.s32 $0x8;
	[dreg:$0x5] =	wrdreg s25  }
0xe: {  	[dreg:$0x6] =	wrdreg s26;
	s25 =	simm.s32 $0x1;
	s26 =	simm.s32 $0x2  }
.LBB2_1:
0xf: {  	[dreg:$0x7] =	wrdreg s5  }
0x10: {  	s4 =	rddreg [dreg:$0x4];
	s6 =	simm.s32 $0x9  }
0x11: {  	[tilespmem:s3], [sflag:$0x9] =	stream.linear.gather [hbm4b:s4+s3], $0x4000, $0x38;
	v63 =	vld [tilespmem:$0x0]  }
0x12: {  	_ =	swait.ge [sflag:s6], $0x4000  }
0x13: {  	[sflag:s6] =	ssyncset.done $0x0  }
0x14: {  	s7 =	simm.s32 $0x0;
	[sflag:s6] =	ssyncadd.s32 $0xFFFFC000;
	s6 =	simm.s32 $0x4000  }
0x15: {  	[tilespmem:s6], [sflag:$0x1] =	stream.indirect.gather [hbm4b:s1+s8], $0x80, s7, s8, $0xb8;
	v63 =	vld [tilespmem:$0x0]  }
0x16: {  	s9 =	simm.s32 $0x80;
	s7 =	simm.s32 $0x5C00  }
0x17: {  	[tilespmem:s7], [sflag:$0x1] =	stream.indirect.gather [hbm4b:s1+s8], $0x80, s9, s8, $0xb8;
	v63 =	vld [tilespmem:$0x0]  }
0x18: {  	s10 =	simm.s32 $0x100;
	s9 =	simm.s32 $0x7800  }
0x19: {  	[tilespmem:s9], [sflag:$0x1] =	stream.indirect.gather [hbm4b:s1+s8], $0x80, s10, s8, $0xb8;
	v63 =	vld [tilespmem:$0x0]  }
0x1a: {  	s11 =	simm.s32 $0x180;
	s10 =	simm.s32 $0x9400  }
0x1b: {  	[tilespmem:s10], [sflag:$0x1] =	stream.indirect.gather [hbm4b:s1+s8], $0x80, s11, s8, $0xb8;
	v63 =	vld [tilespmem:$0x0]  }
0x1c: {  	s12 =	simm.s32 $0x200;
	s11 =	simm.s32 $0xB000  }
0x1d: {  	[tilespmem:s11], [sflag:$0x2] =	stream.indirect.gather [hbm4b:s1+s8], $0x80, s12, s8, $0xb8;
	v63 =	vld [tilespmem:$0x0]  }
0x1e: {  	s13 =	simm.s32 $0x280;
	s12 =	simm.s32 $0xCC00  }
0x1f: {  	[tilespmem:s12], [sflag:$0x2] =	stream.indirect.gather [hbm4b:s1+s8], $0x80, s13, s8, $0xb8;
	v63 =	vld [tilespmem:$0x0]  }
0x20: {  	s14 =	simm.s32 $0x300;
	s13 =	simm.s32 $0xE800  }
0x21: {  	[tilespmem:s13], [sflag:$0x2] =	stream.indirect.gather [hbm4b:s1+s8], $0x80, s14, s8, $0xb8;
	v63 =	vld [tilespmem:$0x0]  }
0x22: {  	s15 =	simm.s32 $0x380;
	s14 =	simm.s32 $0x10400  }
0x23: {  	[tilespmem:s14], [sflag:$0x2] =	stream.indirect.gather [hbm4b:s1+s8], $0x80, s15, s8, $0xb8;
	v63 =	vld [tilespmem:$0x0]  }
0x24: {  	s16 =	simm.s32 $0x400;
	s15 =	simm.s32 $0x12000  }
0x25: {  	[tilespmem:s15], [sflag:$0x3] =	stream.indirect.gather [hbm4b:s1+s8], $0x80, s16, s8, $0xb8;
	v63 =	vld [tilespmem:$0x0]  }
0x26: {  	s17 =	simm.s32 $0x480;
	s16 =	simm.s32 $0x13C00  }
0x27: {  	[tilespmem:s16], [sflag:$0x3] =	stream.indirect.gather [hbm4b:s1+s8], $0x80, s17, s8, $0xb8;
	v63 =	vld [tilespmem:$0x0]  }
0x28: {  	s18 =	simm.s32 $0x500;
	s17 =	simm.s32 $0x15800  }
0x29: {  	[tilespmem:s17], [sflag:$0x3] =	stream.indirect.gather [hbm4b:s1+s8], $0x80, s18, s8, $0xb8;
	v63 =	vld [tilespmem:$0x0]  }
0x2a: {  	s19 =	simm.s32 $0x580;
	s18 =	simm.s32 $0x17400  }
0x2b: {  	[tilespmem:s18], [sflag:$0x3] =	stream.indirect.gather [hbm4b:s1+s8], $0x80, s19, s8, $0xb8;
	v63 =	vld [tilespmem:$0x0]  }
0x2c: {  	s20 =	simm.s32 $0x600;
	s19 =	simm.s32 $0x19000  }
0x2d: {  	[tilespmem:s19], [sflag:$0x4] =	stream.indirect.gather [hbm4b:s1+s8], $0x80, s20, s8, $0xb8;
	v63 =	vld [tilespmem:$0x0]  }
0x2e: {  	s21 =	simm.s32 $0x680;
	s20 =	simm.s32 $0x1AC00  }
0x2f: {  	[tilespmem:s20], [sflag:$0x4] =	stream.indirect.gather [hbm4b:s1+s8], $0x80, s21, s8, $0xb8;
	v63 =	vld [tilespmem:$0x0]  }
0x30: {  	s22 =	simm.s32 $0x700;
	s21 =	simm.s32 $0x1C800  }
0x31: {  	[tilespmem:s21], [sflag:$0x4] =	stream.indirect.gather [hbm4b:s1+s8], $0x80, s22, s8, $0xb8;
	v63 =	vld [tilespmem:$0x0]  }
0x32: {  	s5 =	simm.s32 $0x780;
	s22 =	simm.s32 $0x1E400  }
0x33: {  	[tilespmem:s22], [sflag:$0x4] =	stream.indirect.gather [hbm4b:s1+s8], $0x80, s5, s8, $0xb8;
	v63 =	vld [tilespmem:$0x0]  }
0x34: {  	_ =	swait.ge [sflag:s25], $0x1900  }
0x35: {  	[sflag:s25] =	ssyncset.done $0x0  }
0x36: {  	[sflag:s25] =	ssyncadd.s32 $0xFFFFE700  }
0x37: {  	_ =	swait.ge [sflag:s25], $0x1900  }
0x38: {  	[sflag:s25] =	ssyncset.done $0x0  }
0x39: {  	[sflag:s25] =	ssyncadd.s32 $0xFFFFE700  }
0x3a: {  	_ =	swait.ge [sflag:s25], $0x1900  }
0x3b: {  	[sflag:s25] =	ssyncset.done $0x0  }
0x3c: {  	[sflag:s25] =	ssyncadd.s32 $0xFFFFE700  }
0x3d: {  	_ =	swait.ge [sflag:s25], $0x1900  }
0x3e: {  	[sflag:s25] =	ssyncset.done $0x0  }
0x3f: {  	s5 =	rddreg [dreg:$0x6];
	[sflag:s25] =	ssyncadd.s32 $0xFFFFE700  }
0x40: {  	[hbm4b:s5+s3] =	stream.linear.scatter [tilespmem:s6], [sflag:$0x5], $0x1900, $0x38;
	v63 =	vld [tilespmem:$0x0]  }
0x41: {  	s6 =	sadd.s32 $0x380, s5  }
0x42: {  	[hbm4b:s6+s3] =	stream.linear.scatter [tilespmem:s7], [sflag:$0x5], $0x1900, $0x38;
	v63 =	vld [tilespmem:$0x0]  }
0x43: {  	s7 =	sadd.s32 $0x700, s5  }
0x44: {  	[hbm4b:s7+s3] =	stream.linear.scatter [tilespmem:s9], [sflag:$0x5], $0x1900, $0x38;
	v63 =	vld [tilespmem:$0x0]  }
0x45: {  	s9 =	sadd.s32 $0xA80, s5  }
0x46: {  	[hbm4b:s9+s3] =	stream.linear.scatter [tilespmem:s10], [sflag:$0x5], $0x1900, $0x38;
	v63 =	vld [tilespmem:$0x0]  }
0x47: {  	_ =	swait.ge [sflag:s26], $0x1900  }
0x48: {  	[sflag:s26] =	ssyncset.done $0x0  }
0x49: {  	[sflag:s26] =	ssyncadd.s32 $0xFFFFE700  }
0x4a: {  	_ =	swait.ge [sflag:s26], $0x1900  }
0x4b: {  	[sflag:s26] =	ssyncset.done $0x0  }
0x4c: {  	[sflag:s26] =	ssyncadd.s32 $0xFFFFE700  }
0x4d: {  	_ =	swait.ge [sflag:s26], $0x1900  }
0x4e: {  	[sflag:s26] =	ssyncset.done $0x0  }
0x4f: {  	[sflag:s26] =	ssyncadd.s32 $0xFFFFE700  }
0x50: {  	_ =	swait.ge [sflag:s26], $0x1900  }
0x51: {  	[sflag:s26] =	ssyncset.done $0x0  }
0x52: {  	s10 =	sadd.s32 $0xE00, s5;
	[sflag:s26] =	ssyncadd.s32 $0xFFFFE700  }
0x53: {  	[hbm4b:s10+s3] =	stream.linear.scatter [tilespmem:s11], [sflag:$0x6], $0x1900, $0x38;
	v63 =	vld [tilespmem:$0x0]  }
0x54: {  	s11 =	sadd.s32 $0x1180, s5  }
0x55: {  	[hbm4b:s11+s3] =	stream.linear.scatter [tilespmem:s12], [sflag:$0x6], $0x1900, $0x38;
	v63 =	vld [tilespmem:$0x0]  }
0x56: {  	s12 =	sadd.s32 $0x1500, s5  }
0x57: {  	[hbm4b:s12+s3] =	stream.linear.scatter [tilespmem:s13], [sflag:$0x6], $0x1900, $0x38;
	v63 =	vld [tilespmem:$0x0]  }
0x58: {  	s13 =	sadd.s32 $0x1880, s5  }
0x59: {  	[hbm4b:s13+s3] =	stream.linear.scatter [tilespmem:s14], [sflag:$0x6], $0x1900, $0x38;
	v63 =	vld [tilespmem:$0x0]  }
0x5a: {  	_ =	swait.ge [sflag:s28], $0x1900  }
0x5b: {  	[sflag:s28] =	ssyncset.done $0x0  }
0x5c: {  	[sflag:s28] =	ssyncadd.s32 $0xFFFFE700  }
0x5d: {  	_ =	swait.ge [sflag:s28], $0x1900  }
0x5e: {  	[sflag:s28] =	ssyncset.done $0x0  }
0x5f: {  	[sflag:s28] =	ssyncadd.s32 $0xFFFFE700  }
0x60: {  	_ =	swait.ge [sflag:s28], $0x1900  }
0x61: {  	[sflag:s28] =	ssyncset.done $0x0  }
0x62: {  	[sflag:s28] =	ssyncadd.s32 $0xFFFFE700  }
0x63: {  	_ =	swait.ge [sflag:s28], $0x1900  }
0x64: {  	[sflag:s28] =	ssyncset.done $0x0  }
0x65: {  	s14 =	sadd.s32 $0x1C00, s5;
	[sflag:s28] =	ssyncadd.s32 $0xFFFFE700  }
0x66: {  	[hbm4b:s14+s3] =	stream.linear.scatter [tilespmem:s15], [sflag:$0x7], $0x1900, $0x38;
	v63 =	vld [tilespmem:$0x0]  }
0x67: {  	s15 =	sadd.s32 $0x1F80, s5  }
0x68: {  	[hbm4b:s15+s3] =	stream.linear.scatter [tilespmem:s16], [sflag:$0x7], $0x1900, $0x38;
	v63 =	vld [tilespmem:$0x0]  }
0x69: {  	s16 =	sadd.s32 $0x2300, s5  }
0x6a: {  	[hbm4b:s16+s3] =	stream.linear.scatter [tilespmem:s17], [sflag:$0x7], $0x1900, $0x38;
	v63 =	vld [tilespmem:$0x0]  }
0x6b: {  	s17 =	sadd.s32 $0x2680, s5  }
0x6c: {  	[hbm4b:s17+s3] =	stream.linear.scatter [tilespmem:s18], [sflag:$0x7], $0x1900, $0x38;
	v63 =	vld [tilespmem:$0x0]  }
0x6d: {  	_ =	swait.ge [sflag:s29], $0x1900  }
0x6e: {  	[sflag:s29] =	ssyncset.done $0x0  }
0x6f: {  	[sflag:s29] =	ssyncadd.s32 $0xFFFFE700  }
0x70: {  	_ =	swait.ge [sflag:s29], $0x1900  }
0x71: {  	[sflag:s29] =	ssyncset.done $0x0  }
0x72: {  	[sflag:s29] =	ssyncadd.s32 $0xFFFFE700  }
0x73: {  	_ =	swait.ge [sflag:s29], $0x1900  }
0x74: {  	[sflag:s29] =	ssyncset.done $0x0  }
0x75: {  	[sflag:s29] =	ssyncadd.s32 $0xFFFFE700  }
0x76: {  	_ =	swait.ge [sflag:s29], $0x1900  }
0x77: {  	[sflag:s29] =	ssyncset.done $0x0  }
0x78: {  	s18 =	sadd.s32 $0x2A00, s5;
	[sflag:s29] =	ssyncadd.s32 $0xFFFFE700  }
0x79: {  	[hbm4b:s18+s3] =	stream.linear.scatter [tilespmem:s19], [sflag:$0x8], $0x1900, $0x38;
	v63 =	vld [tilespmem:$0x0]  }
0x7a: {  	s19 =	sadd.s32 $0x2D80, s5  }
0x7b: {  	[hbm4b:s19+s3] =	stream.linear.scatter [tilespmem:s20], [sflag:$0x8], $0x1900, $0x38;
	v63 =	vld [tilespmem:$0x0]  }
0x7c: {  	s20 =	sadd.s32 $0x3100, s5  }
0x7d: {  	[hbm4b:s20+s3] =	stream.linear.scatter [tilespmem:s21], [sflag:$0x8], $0x1900, $0x38;
	v63 =	vld [tilespmem:$0x0]  }
0x7e: {  	s21 =	sadd.s32 $0x3480, s5  }
0x7f: {  	[hbm4b:s21+s3] =	stream.linear.scatter [tilespmem:s22], [sflag:$0x8], $0x1900, $0x38;
	v63 =	vld [tilespmem:$0x0]  }
0x80: {  	_ =	swait.ge [sflag:s30], $0x6400  }
0x81: {  	[sflag:s30] =	ssyncset.done $0x0  }
0x82: {  	[sflag:s30] =	ssyncadd.s32 $0xFFFF9C00  }
0x83: {  	_ =	swait.ge [sflag:s31], $0x6400  }
0x84: {  	[sflag:s31] =	ssyncset.done $0x0  }
0x85: {  	[sflag:s31] =	ssyncadd.s32 $0xFFFF9C00  }
0x86: {  	_ =	swait.ge [sflag:s0], $0x6400  }
0x87: {  	[sflag:s0] =	ssyncset.done $0x0  }
0x88: {  	[sflag:s0] =	ssyncadd.s32 $0xFFFF9C00  }
0x89: {  	s4 =	simm.s32 $0x4000;
	_ =	swait.ge [sflag:s2], $0x6400  }
0x8a: {  	s7 =	simm.s32 $0x2000;
	s5 =	sadd.s32 $0x3800, s5;
	[sflag:s2] =	ssyncset.done $0x0  }
.LBB2_2:
0x8b: {  	s6 =	sshra.s32 s7, $0x2;
	[sflag:s2] =	ssyncadd.s32 $0xFFFF9C00  }
0x8c: {  	s7 =	smov.u32 s4;
	s9 =	sadd.s32 $0x2000, s4;
	s10 =	simm.s32 $0x4000  }
0x8d: {  	[tilespmem:s10], [sflag:$0x1] =	stream.indirect.gather [hbm4b:s1+s8], $0x80, s6, s8, $0xb8;
	v63 =	vld [tilespmem:$0x0]  }
0x8e: {  	p0 =	sne.s32 s4, $0xE000;
	s11 =	simm.s32 $0x5C00;
	s4 =	sadd.s32 $0x80, s6  }
0x8f: {  	[tilespmem:s11], [sflag:$0x1] =	stream.indirect.gather [hbm4b:s1+s8], $0x80, s4, s8, $0xb8;
	v63 =	vld [tilespmem:$0x0]  }
0x90: {  	s12 =	simm.s32 $0x7800;
	s4 =	sadd.s32 $0x100, s6  }
0x91: {  	[tilespmem:s12], [sflag:$0x1] =	stream.indirect.gather [hbm4b:s1+s8], $0x80, s4, s8, $0xb8;
	v63 =	vld [tilespmem:$0x0]  }
0x92: {  	s13 =	simm.s32 $0x9400;
	s4 =	sadd.s32 $0x180, s6  }
0x93: {  	[tilespmem:s13], [sflag:$0x1] =	stream.indirect.gather [hbm4b:s1+s8], $0x80, s4, s8, $0xb8;
	v63 =	vld [tilespmem:$0x0]  }
0x94: {  	s14 =	simm.s32 $0xB000;
	s4 =	sadd.s32 $0x200, s6  }
0x95: {  	[tilespmem:s14], [sflag:$0x2] =	stream.indirect.gather [hbm4b:s1+s8], $0x80, s4, s8, $0xb8;
	v63 =	vld [tilespmem:$0x0]  }
0x96: {  	s15 =	simm.s32 $0xCC00;
	s4 =	sadd.s32 $0x280, s6  }
0x97: {  	[tilespmem:s15], [sflag:$0x2] =	stream.indirect.gather [hbm4b:s1+s8], $0x80, s4, s8, $0xb8;
	v63 =	vld [tilespmem:$0x0]  }
0x98: {  	s16 =	simm.s32 $0xE800;
	s4 =	sadd.s32 $0x300, s6  }
0x99: {  	[tilespmem:s16], [sflag:$0x2] =	stream.indirect.gather [hbm4b:s1+s8], $0x80, s4, s8, $0xb8;
	v63 =	vld [tilespmem:$0x0]  }
0x9a: {  	s17 =	simm.s32 $0x10400;
	s4 =	sadd.s32 $0x380, s6  }
0x9b: {  	[tilespmem:s17], [sflag:$0x2] =	stream.indirect.gather [hbm4b:s1+s8], $0x80, s4, s8, $0xb8;
	v63 =	vld [tilespmem:$0x0]  }
0x9c: {  	s18 =	simm.s32 $0x12000;
	s4 =	sadd.s32 $0x400, s6  }
0x9d: {  	[tilespmem:s18], [sflag:$0x3] =	stream.indirect.gather [hbm4b:s1+s8], $0x80, s4, s8, $0xb8;
	v63 =	vld [tilespmem:$0x0]  }
0x9e: {  	s19 =	simm.s32 $0x13C00;
	s4 =	sadd.s32 $0x480, s6  }
0x9f: {  	[tilespmem:s19], [sflag:$0x3] =	stream.indirect.gather [hbm4b:s1+s8], $0x80, s4, s8, $0xb8;
	v63 =	vld [tilespmem:$0x0]  }
0xa0: {  	s20 =	simm.s32 $0x15800;
	s4 =	sadd.s32 $0x500, s6  }
0xa1: {  	[tilespmem:s20], [sflag:$0x3] =	stream.indirect.gather [hbm4b:s1+s8], $0x80, s4, s8, $0xb8;
	v63 =	vld [tilespmem:$0x0]  }
0xa2: {  	s21 =	simm.s32 $0x17400;
	s4 =	sadd.s32 $0x580, s6  }
0xa3: {  	[tilespmem:s21], [sflag:$0x3] =	stream.indirect.gather [hbm4b:s1+s8], $0x80, s4, s8, $0xb8;
	v63 =	vld [tilespmem:$0x0]  }
0xa4: {  	s22 =	simm.s32 $0x19000;
	s4 =	sadd.s32 $0x600, s6  }
0xa5: {  	[tilespmem:s22], [sflag:$0x4] =	stream.indirect.gather [hbm4b:s1+s8], $0x80, s4, s8, $0xb8;
	v63 =	vld [tilespmem:$0x0]  }
0xa6: {  	s4 =	sadd.s32 $0x680, s6  }
0xa7: {  	[tilespmem:s23], [sflag:$0x4] =	stream.indirect.gather [hbm4b:s1+s8], $0x80, s4, s8, $0xb8;
	v63 =	vld [tilespmem:$0x0]  }
0xa8: {  	s4 =	sadd.s32 $0x700, s6  }
0xa9: {  	[tilespmem:s24], [sflag:$0x4] =	stream.indirect.gather [hbm4b:s1+s8], $0x80, s4, s8, $0xb8;
	v63 =	vld [tilespmem:$0x0]  }
0xaa: {  	s4 =	sadd.s32 $0x780, s6;
	s6 =	simm.s32 $0x1E400  }
0xab: {  	[tilespmem:s6], [sflag:$0x4] =	stream.indirect.gather [hbm4b:s1+s8], $0x80, s4, s8, $0xb8;
	v63 =	vld [tilespmem:$0x0]  }
0xac: {  	_ =	swait.ge [sflag:s25], $0x1900  }
0xad: {  	[sflag:s25] =	ssyncset.done $0x0  }
0xae: {  	[sflag:s25] =	ssyncadd.s32 $0xFFFFE700  }
0xaf: {  	_ =	swait.ge [sflag:s25], $0x1900  }
0xb0: {  	[sflag:s25] =	ssyncset.done $0x0  }
0xb1: {  	[sflag:s25] =	ssyncadd.s32 $0xFFFFE700  }
0xb2: {  	_ =	swait.ge [sflag:s25], $0x1900  }
0xb3: {  	[sflag:s25] =	ssyncset.done $0x0  }
0xb4: {  	[sflag:s25] =	ssyncadd.s32 $0xFFFFE700  }
0xb5: {  	_ =	swait.ge [sflag:s25], $0x1900  }
0xb6: {  	[sflag:s25] =	ssyncset.done $0x0  }
0xb7: {  	[sflag:s25] =	ssyncadd.s32 $0xFFFFE700  }
0xb8: {  	[hbm4b:s5+s3] =	stream.linear.scatter [tilespmem:s10], [sflag:$0x5], $0x1900, $0x38;
	v63 =	vld [tilespmem:$0x0]  }
0xb9: {  	s4 =	sadd.s32 $0x380, s5  }
0xba: {  	[hbm4b:s4+s3] =	stream.linear.scatter [tilespmem:s11], [sflag:$0x5], $0x1900, $0x38;
	v63 =	vld [tilespmem:$0x0]  }
0xbb: {  	s4 =	sadd.s32 $0x700, s5  }
0xbc: {  	[hbm4b:s4+s3] =	stream.linear.scatter [tilespmem:s12], [sflag:$0x5], $0x1900, $0x38;
	v63 =	vld [tilespmem:$0x0]  }
0xbd: {  	s4 =	sadd.s32 $0xA80, s5  }
0xbe: {  	[hbm4b:s4+s3] =	stream.linear.scatter [tilespmem:s13], [sflag:$0x5], $0x1900, $0x38;
	v63 =	vld [tilespmem:$0x0]  }
0xbf: {  	_ =	swait.ge [sflag:s26], $0x1900  }
0xc0: {  	[sflag:s26] =	ssyncset.done $0x0  }
0xc1: {  	[sflag:s26] =	ssyncadd.s32 $0xFFFFE700  }
0xc2: {  	_ =	swait.ge [sflag:s26], $0x1900  }
0xc3: {  	[sflag:s26] =	ssyncset.done $0x0  }
0xc4: {  	[sflag:s26] =	ssyncadd.s32 $0xFFFFE700  }
0xc5: {  	_ =	swait.ge [sflag:s26], $0x1900  }
0xc6: {  	[sflag:s26] =	ssyncset.done $0x0  }
0xc7: {  	[sflag:s26] =	ssyncadd.s32 $0xFFFFE700  }
0xc8: {  	_ =	swait.ge [sflag:s26], $0x1900  }
0xc9: {  	[sflag:s26] =	ssyncset.done $0x0  }
0xca: {  	s4 =	sadd.s32 $0xE00, s5;
	[sflag:s26] =	ssyncadd.s32 $0xFFFFE700  }
0xcb: {  	[hbm4b:s4+s3] =	stream.linear.scatter [tilespmem:s14], [sflag:$0x6], $0x1900, $0x38;
	v63 =	vld [tilespmem:$0x0]  }
0xcc: {  	s4 =	sadd.s32 $0x1180, s5  }
0xcd: {  	[hbm4b:s4+s3] =	stream.linear.scatter [tilespmem:s15], [sflag:$0x6], $0x1900, $0x38;
	v63 =	vld [tilespmem:$0x0]  }
0xce: {  	s4 =	sadd.s32 $0x1500, s5  }
0xcf: {  	[hbm4b:s4+s3] =	stream.linear.scatter [tilespmem:s16], [sflag:$0x6], $0x1900, $0x38;
	v63 =	vld [tilespmem:$0x0]  }
0xd0: {  	s4 =	sadd.s32 $0x1880, s5  }
0xd1: {  	[hbm4b:s4+s3] =	stream.linear.scatter [tilespmem:s17], [sflag:$0x6], $0x1900, $0x38;
	v63 =	vld [tilespmem:$0x0]  }
0xd2: {  	_ =	swait.ge [sflag:s28], $0x1900  }
0xd3: {  	[sflag:s28] =	ssyncset.done $0x0  }
0xd4: {  	[sflag:s28] =	ssyncadd.s32 $0xFFFFE700  }
0xd5: {  	_ =	swait.ge [sflag:s28], $0x1900  }
0xd6: {  	[sflag:s28] =	ssyncset.done $0x0  }
0xd7: {  	[sflag:s28] =	ssyncadd.s32 $0xFFFFE700  }
0xd8: {  	_ =	swait.ge [sflag:s28], $0x1900  }
0xd9: {  	[sflag:s28] =	ssyncset.done $0x0  }
0xda: {  	[sflag:s28] =	ssyncadd.s32 $0xFFFFE700  }
0xdb: {  	_ =	swait.ge [sflag:s28], $0x1900  }
0xdc: {  	[sflag:s28] =	ssyncset.done $0x0  }
0xdd: {  	s4 =	sadd.s32 $0x1C00, s5;
	[sflag:s28] =	ssyncadd.s32 $0xFFFFE700  }
0xde: {  	[hbm4b:s4+s3] =	stream.linear.scatter [tilespmem:s18], [sflag:$0x7], $0x1900, $0x38;
	v63 =	vld [tilespmem:$0x0]  }
0xdf: {  	s4 =	sadd.s32 $0x1F80, s5  }
0xe0: {  	[hbm4b:s4+s3] =	stream.linear.scatter [tilespmem:s19], [sflag:$0x7], $0x1900, $0x38;
	v63 =	vld [tilespmem:$0x0]  }
0xe1: {  	s4 =	sadd.s32 $0x2300, s5  }
0xe2: {  	[hbm4b:s4+s3] =	stream.linear.scatter [tilespmem:s20], [sflag:$0x7], $0x1900, $0x38;
	v63 =	vld [tilespmem:$0x0]  }
0xe3: {  	s4 =	sadd.s32 $0x2680, s5  }
0xe4: {  	[hbm4b:s4+s3] =	stream.linear.scatter [tilespmem:s21], [sflag:$0x7], $0x1900, $0x38;
	v63 =	vld [tilespmem:$0x0]  }
0xe5: {  	_ =	swait.ge [sflag:s29], $0x1900  }
0xe6: {  	[sflag:s29] =	ssyncset.done $0x0  }
0xe7: {  	[sflag:s29] =	ssyncadd.s32 $0xFFFFE700  }
0xe8: {  	_ =	swait.ge [sflag:s29], $0x1900  }
0xe9: {  	[sflag:s29] =	ssyncset.done $0x0  }
0xea: {  	[sflag:s29] =	ssyncadd.s32 $0xFFFFE700  }
0xeb: {  	_ =	swait.ge [sflag:s29], $0x1900  }
0xec: {  	[sflag:s29] =	ssyncset.done $0x0  }
0xed: {  	[sflag:s29] =	ssyncadd.s32 $0xFFFFE700  }
0xee: {  	_ =	swait.ge [sflag:s29], $0x1900  }
0xef: {  	[sflag:s29] =	ssyncset.done $0x0  }
0xf0: {  	s4 =	sadd.s32 $0x2A00, s5;
	[sflag:s29] =	ssyncadd.s32 $0xFFFFE700  }
0xf1: {  	[hbm4b:s4+s3] =	stream.linear.scatter [tilespmem:s22], [sflag:$0x8], $0x1900, $0x38;
	v63 =	vld [tilespmem:$0x0]  }
0xf2: {  	s4 =	sadd.s32 $0x2D80, s5  }
0xf3: {  	[hbm4b:s4+s3] =	stream.linear.scatter [tilespmem:s23], [sflag:$0x8], $0x1900, $0x38;
	v63 =	vld [tilespmem:$0x0]  }
0xf4: {  	s4 =	sadd.s32 $0x3100, s5  }
0xf5: {  	[hbm4b:s4+s3] =	stream.linear.scatter [tilespmem:s24], [sflag:$0x8], $0x1900, $0x38;
	v63 =	vld [tilespmem:$0x0]  }
0xf6: {  	s4 =	sadd.s32 $0x3480, s5  }
0xf7: {  	[hbm4b:s4+s3] =	stream.linear.scatter [tilespmem:s6], [sflag:$0x8], $0x1900, $0x38;
	v63 =	vld [tilespmem:$0x0]  }
0xf8: {  	_ =	swait.ge [sflag:s30], $0x6400  }
0xf9: {  	[sflag:s30] =	ssyncset.done $0x0  }
0xfa: {  	[sflag:s30] =	ssyncadd.s32 $0xFFFF9C00  }
0xfb: {  	_ =	swait.ge [sflag:s31], $0x6400  }
0xfc: {  	[sflag:s31] =	ssyncset.done $0x0  }
0xfd: {  	[sflag:s31] =	ssyncadd.s32 $0xFFFF9C00  }
.Ltmp0:
0xfe: {  	_ =	swait.ge [sflag:s0], $0x6400;
	(pc) =	sbr.rel @p0 .LBB2_2-.Ltmp0, $4  }
0xff: {  	[sflag:s0] =	ssyncset.done $0x0  }
0x100: {  	[sflag:s0] =	ssyncadd.s32 $0xFFFF9C00  }
0x101: {  	_ =	swait.ge [sflag:s2], $0x6400  }
0x102: {  	s5 =	sadd.s32 $0x3800, s5;
	s4 =	smov.u32 s9;
	[sflag:s2] =	ssyncset.done $0x0  }
0x103: {  	s4 =	sshra.s32 s7, $0x2;
	[sflag:s2] =	ssyncadd.s32 $0xFFFF9C00;
	s7 =	simm.s32 $0x4000  }
0x104: {  	[tilespmem:s7], [sflag:$0x1] =	stream.indirect.gather [hbm4b:s1+s8], $0x80, s4, s8, $0xb8;
	v63 =	vld [tilespmem:$0x0]  }
0x105: {  	s9 =	simm.s32 $0x5C00;
	s6 =	sadd.s32 $0x80, s4  }
0x106: {  	[tilespmem:s9], [sflag:$0x1] =	stream.indirect.gather [hbm4b:s1+s8], $0x80, s6, s8, $0xb8;
	v63 =	vld [tilespmem:$0x0]  }
0x107: {  	s10 =	simm.s32 $0x7800;
	s11 =	sadd.s32 $0x100, s4  }
0x108: {  	[tilespmem:s10], [sflag:$0x1] =	stream.indirect.gather [hbm4b:s1+s8], $0x80, s11, s8, $0xb8;
	v63 =	vld [tilespmem:$0x0]  }
0x109: {  	s12 =	sadd.s32 $0x180, s4;
	s11 =	simm.s32 $0x9400  }
0x10a: {  	[tilespmem:s11], [sflag:$0x1] =	stream.indirect.gather [hbm4b:s1+s8], $0x80, s12, s8, $0xb8;
	v63 =	vld [tilespmem:$0x0]  }
0x10b: {  	s13 =	sadd.s32 $0x200, s4;
	s12 =	simm.s32 $0xB000  }
0x10c: {  	[tilespmem:s12], [sflag:$0x2] =	stream.indirect.gather [hbm4b:s1+s8], $0x80, s13, s8, $0xb8;
	v63 =	vld [tilespmem:$0x0]  }
0x10d: {  	s14 =	sadd.s32 $0x280, s4;
	s13 =	simm.s32 $0xCC00  }
0x10e: {  	[tilespmem:s13], [sflag:$0x2] =	stream.indirect.gather [hbm4b:s1+s8], $0x80, s14, s8, $0xb8;
	v63 =	vld [tilespmem:$0x0]  }
0x10f: {  	s15 =	sadd.s32 $0x300, s4;
	s14 =	simm.s32 $0xE800  }
0x110: {  	[tilespmem:s14], [sflag:$0x2] =	stream.indirect.gather [hbm4b:s1+s8], $0x80, s15, s8, $0xb8;
	v63 =	vld [tilespmem:$0x0]  }
0x111: {  	s16 =	sadd.s32 $0x380, s4;
	s15 =	simm.s32 $0x10400  }
0x112: {  	[tilespmem:s15], [sflag:$0x2] =	stream.indirect.gather [hbm4b:s1+s8], $0x80, s16, s8, $0xb8;
	v63 =	vld [tilespmem:$0x0]  }
0x113: {  	s17 =	sadd.s32 $0x400, s4;
	s16 =	simm.s32 $0x12000  }
0x114: {  	[tilespmem:s16], [sflag:$0x3] =	stream.indirect.gather [hbm4b:s1+s8], $0x80, s17, s8, $0xb8;
	v63 =	vld [tilespmem:$0x0]  }
0x115: {  	s18 =	sadd.s32 $0x480, s4;
	s17 =	simm.s32 $0x13C00  }
0x116: {  	[tilespmem:s17], [sflag:$0x3] =	stream.indirect.gather [hbm4b:s1+s8], $0x80, s18, s8, $0xb8;
	v63 =	vld [tilespmem:$0x0]  }
0x117: {  	s19 =	sadd.s32 $0x500, s4;
	s18 =	simm.s32 $0x15800  }
0x118: {  	[tilespmem:s18], [sflag:$0x3] =	stream.indirect.gather [hbm4b:s1+s8], $0x80, s19, s8, $0xb8;
	v63 =	vld [tilespmem:$0x0]  }
0x119: {  	s20 =	sadd.s32 $0x580, s4;
	s19 =	simm.s32 $0x17400  }
0x11a: {  	[tilespmem:s19], [sflag:$0x3] =	stream.indirect.gather [hbm4b:s1+s8], $0x80, s20, s8, $0xb8;
	v63 =	vld [tilespmem:$0x0]  }
0x11b: {  	s21 =	sadd.s32 $0x600, s4;
	s20 =	simm.s32 $0x19000  }
0x11c: {  	[tilespmem:s20], [sflag:$0x4] =	stream.indirect.gather [hbm4b:s1+s8], $0x80, s21, s8, $0xb8;
	v63 =	vld [tilespmem:$0x0]  }
0x11d: {  	s22 =	sadd.s32 $0x680, s4;
	s21 =	simm.s32 $0x1AC00  }
0x11e: {  	[tilespmem:s21], [sflag:$0x4] =	stream.indirect.gather [hbm4b:s1+s8], $0x80, s22, s8, $0xb8;
	v63 =	vld [tilespmem:$0x0]  }
0x11f: {  	s6 =	sadd.s32 $0x700, s4;
	s22 =	simm.s32 $0x1C800  }
0x120: {  	[tilespmem:s22], [sflag:$0x4] =	stream.indirect.gather [hbm4b:s1+s8], $0x80, s6, s8, $0xb8;
	v63 =	vld [tilespmem:$0x0]  }
0x121: {  	s4 =	sadd.s32 $0x780, s4;
	s6 =	simm.s32 $0x1E400  }
0x122: {  	[tilespmem:s6], [sflag:$0x4] =	stream.indirect.gather [hbm4b:s1+s8], $0x80, s4, s8, $0xb8;
	v63 =	vld [tilespmem:$0x0]  }
0x123: {  	_ =	swait.ge [sflag:s25], $0x1900  }
0x124: {  	[sflag:s25] =	ssyncset.done $0x0  }
0x125: {  	[sflag:s25] =	ssyncadd.s32 $0xFFFFE700  }
0x126: {  	_ =	swait.ge [sflag:s25], $0x1900  }
0x127: {  	[sflag:s25] =	ssyncset.done $0x0  }
0x128: {  	[sflag:s25] =	ssyncadd.s32 $0xFFFFE700  }
0x129: {  	_ =	swait.ge [sflag:s25], $0x1900  }
0x12a: {  	[sflag:s25] =	ssyncset.done $0x0  }
0x12b: {  	[sflag:s25] =	ssyncadd.s32 $0xFFFFE700  }
0x12c: {  	_ =	swait.ge [sflag:s25], $0x1900  }
0x12d: {  	[sflag:s25] =	ssyncset.done $0x0  }
0x12e: {  	[sflag:s25] =	ssyncadd.s32 $0xFFFFE700  }
0x12f: {  	[hbm4b:s5+s3] =	stream.linear.scatter [tilespmem:s7], [sflag:$0x5], $0x1900, $0x38;
	v63 =	vld [tilespmem:$0x0]  }
0x130: {  	s7 =	sadd.s32 $0x380, s5  }
0x131: {  	[hbm4b:s7+s3] =	stream.linear.scatter [tilespmem:s9], [sflag:$0x5], $0x1900, $0x38;
	v63 =	vld [tilespmem:$0x0]  }
0x132: {  	s9 =	sadd.s32 $0x700, s5  }
0x133: {  	[hbm4b:s9+s3] =	stream.linear.scatter [tilespmem:s10], [sflag:$0x5], $0x1900, $0x38;
	v63 =	vld [tilespmem:$0x0]  }
0x134: {  	s7 =	sadd.s32 $0xA80, s5  }
0x135: {  	[hbm4b:s7+s3] =	stream.linear.scatter [tilespmem:s11], [sflag:$0x5], $0x1900, $0x38;
	v63 =	vld [tilespmem:$0x0]  }
0x136: {  	_ =	swait.ge [sflag:s26], $0x1900  }
0x137: {  	[sflag:s26] =	ssyncset.done $0x0  }
0x138: {  	[sflag:s26] =	ssyncadd.s32 $0xFFFFE700  }
0x139: {  	_ =	swait.ge [sflag:s26], $0x1900  }
0x13a: {  	[sflag:s26] =	ssyncset.done $0x0  }
0x13b: {  	[sflag:s26] =	ssyncadd.s32 $0xFFFFE700  }
0x13c: {  	_ =	swait.ge [sflag:s26], $0x1900  }
0x13d: {  	[sflag:s26] =	ssyncset.done $0x0  }
0x13e: {  	[sflag:s26] =	ssyncadd.s32 $0xFFFFE700  }
0x13f: {  	_ =	swait.ge [sflag:s26], $0x1900  }
0x140: {  	[sflag:s26] =	ssyncset.done $0x0  }
0x141: {  	s9 =	sadd.s32 $0xE00, s5;
	[sflag:s26] =	ssyncadd.s32 $0xFFFFE700  }
0x142: {  	[hbm4b:s9+s3] =	stream.linear.scatter [tilespmem:s12], [sflag:$0x6], $0x1900, $0x38;
	v63 =	vld [tilespmem:$0x0]  }
0x143: {  	s10 =	sadd.s32 $0x1180, s5  }
0x144: {  	[hbm4b:s10+s3] =	stream.linear.scatter [tilespmem:s13], [sflag:$0x6], $0x1900, $0x38;
	v63 =	vld [tilespmem:$0x0]  }
0x145: {  	s11 =	sadd.s32 $0x1500, s5  }
0x146: {  	[hbm4b:s11+s3] =	stream.linear.scatter [tilespmem:s14], [sflag:$0x6], $0x1900, $0x38;
	v63 =	vld [tilespmem:$0x0]  }
0x147: {  	s12 =	sadd.s32 $0x1880, s5  }
0x148: {  	[hbm4b:s12+s3] =	stream.linear.scatter [tilespmem:s15], [sflag:$0x6], $0x1900, $0x38;
	v63 =	vld [tilespmem:$0x0]  }
0x149: {  	_ =	swait.ge [sflag:s28], $0x1900  }
0x14a: {  	[sflag:s28] =	ssyncset.done $0x0  }
0x14b: {  	[sflag:s28] =	ssyncadd.s32 $0xFFFFE700  }
0x14c: {  	_ =	swait.ge [sflag:s28], $0x1900  }
0x14d: {  	[sflag:s28] =	ssyncset.done $0x0  }
0x14e: {  	[sflag:s28] =	ssyncadd.s32 $0xFFFFE700  }
0x14f: {  	_ =	swait.ge [sflag:s28], $0x1900  }
0x150: {  	[sflag:s28] =	ssyncset.done $0x0  }
0x151: {  	[sflag:s28] =	ssyncadd.s32 $0xFFFFE700  }
0x152: {  	_ =	swait.ge [sflag:s28], $0x1900  }
0x153: {  	[sflag:s28] =	ssyncset.done $0x0  }
0x154: {  	s13 =	sadd.s32 $0x1C00, s5;
	[sflag:s28] =	ssyncadd.s32 $0xFFFFE700  }
0x155: {  	[hbm4b:s13+s3] =	stream.linear.scatter [tilespmem:s16], [sflag:$0x7], $0x1900, $0x38;
	v63 =	vld [tilespmem:$0x0]  }
0x156: {  	s14 =	sadd.s32 $0x1F80, s5  }
0x157: {  	[hbm4b:s14+s3] =	stream.linear.scatter [tilespmem:s17], [sflag:$0x7], $0x1900, $0x38;
	v63 =	vld [tilespmem:$0x0]  }
0x158: {  	s15 =	sadd.s32 $0x2300, s5  }
0x159: {  	[hbm4b:s15+s3] =	stream.linear.scatter [tilespmem:s18], [sflag:$0x7], $0x1900, $0x38;
	v63 =	vld [tilespmem:$0x0]  }
0x15a: {  	s16 =	sadd.s32 $0x2680, s5  }
0x15b: {  	[hbm4b:s16+s3] =	stream.linear.scatter [tilespmem:s19], [sflag:$0x7], $0x1900, $0x38;
	v63 =	vld [tilespmem:$0x0]  }
0x15c: {  	_ =	swait.ge [sflag:s29], $0x1900  }
0x15d: {  	[sflag:s29] =	ssyncset.done $0x0  }
0x15e: {  	[sflag:s29] =	ssyncadd.s32 $0xFFFFE700  }
0x15f: {  	_ =	swait.ge [sflag:s29], $0x1900  }
0x160: {  	[sflag:s29] =	ssyncset.done $0x0  }
0x161: {  	[sflag:s29] =	ssyncadd.s32 $0xFFFFE700  }
0x162: {  	_ =	swait.ge [sflag:s29], $0x1900  }
0x163: {  	[sflag:s29] =	ssyncset.done $0x0  }
0x164: {  	[sflag:s29] =	ssyncadd.s32 $0xFFFFE700  }
0x165: {  	_ =	swait.ge [sflag:s29], $0x1900  }
0x166: {  	[sflag:s29] =	ssyncset.done $0x0  }
0x167: {  	s17 =	sadd.s32 $0x2A00, s5;
	[sflag:s29] =	ssyncadd.s32 $0xFFFFE700  }
0x168: {  	[hbm4b:s17+s3] =	stream.linear.scatter [tilespmem:s20], [sflag:$0x8], $0x1900, $0x38;
	v63 =	vld [tilespmem:$0x0]  }
0x169: {  	s18 =	sadd.s32 $0x2D80, s5  }
0x16a: {  	[hbm4b:s18+s3] =	stream.linear.scatter [tilespmem:s21], [sflag:$0x8], $0x1900, $0x38;
	v63 =	vld [tilespmem:$0x0]  }
0x16b: {  	s19 =	sadd.s32 $0x3100, s5  }
0x16c: {  	[hbm4b:s19+s3] =	stream.linear.scatter [tilespmem:s22], [sflag:$0x8], $0x1900, $0x38;
	v63 =	vld [tilespmem:$0x0]  }
0x16d: {  	s20 =	sadd.s32 $0x3480, s5  }
0x16e: {  	[hbm4b:s20+s3] =	stream.linear.scatter [tilespmem:s6], [sflag:$0x8], $0x1900, $0x38;
	v63 =	vld [tilespmem:$0x0]  }
0x16f: {  	_ =	swait.ge [sflag:s30], $0x6400  }
0x170: {  	[sflag:s30] =	ssyncset.done $0x0  }
0x171: {  	[sflag:s30] =	ssyncadd.s32 $0xFFFF9C00  }
0x172: {  	_ =	swait.ge [sflag:s31], $0x6400  }
0x173: {  	[sflag:s31] =	ssyncset.done $0x0  }
0x174: {  	[sflag:s31] =	ssyncadd.s32 $0xFFFF9C00  }
0x175: {  	_ =	swait.ge [sflag:s0], $0x6400  }
0x176: {  	[sflag:s0] =	ssyncset.done $0x0  }
0x177: {  	[sflag:s0] =	ssyncadd.s32 $0xFFFF9C00  }
0x178: {  	_ =	swait.ge [sflag:s2], $0x6400  }
0x179: {  	s21 =	rddreg [dreg:$0x7]  }
0x17a: {  	s22 =	rddreg [dreg:$0x5];
	s5 =	sadd.s32 $0x1, s21  }
0x17b: {  	p0 =	sne.s32 s5, s22  }
.Ltmp1:
0x17c: {  	_ = 	snop;
	(pc) =	sbr.rel @p0 .LBB2_1-.Ltmp1, $3  }
0x17d: {  	_ =	sdelay $0x1  }
0x17e: {  	[sflag:s2] =	ssyncset.done $0x0  }
0x17f: {  	[sflag:s2] =	ssyncadd.s32 $0xFFFF9C00  }
0x180: {  	_ =	sfence.sel $0x180000  }
0x181: {  	[bflag:$0x0] =	sbarrier.arrive $0xFFFF  }
0x182: {  	_ =	strace $0x90000047  }
0x183: {  	s0 =	stileid.u32;
	[bflag:$0x2] =	sbarrier.arrive $0xFFFF  }
0x184: {  	p0 =	sne.s32 s0, $0x0;
	s0 =	rddreg [dreg:$0x3]  }
0x185: {  	s0 =	sadd.s32 @!p0 $0x100000, s0  }
0x186: {  	[sflag:s0] =	ssyncadd.tile.s32 @!p0 $0x1;
	_ =	shalt  }
.Lfunc_end2:
_tile_overlayer_lowered:
.L_overlay_start_2:
0x187: {  	(tag) =	ssettag $0x2  }
0x188: {  	s0 =	rddreg [dreg:$0x0];
	s2 =	stileid.u32  }
0x189: {  	s1 =	rddreg [dreg:$0x1];
	p0 =	sne.s32 s2, $0x0  }
0x18a: {  	s3 =	rddreg [dreg:$0x2];
	[bflag:$0x3] =	sbarrier.arrive $0xFFFF;
	s2 =	simm.s32 @!p0 $0x1C09  }
0x18b: {  	[timem:s3], [sflag:s2] =	dma.local @!p0 [hbm:s0], s1  }
0x18c: {  	s0 =	simm.s32 @!p0 $0x9  }
0x18d: {  	_ =	swait.ge @!p0 [sflag:s0], s1  }
0x18e: {  	s1 =	ssub.s32 @!p0 $0x0, s1;
	[sflag:s0] =	ssyncset.done @!p0 $0x0  }
0x18f: {  	[sflag:s0] =	ssyncadd.s32 @!p0 s1  }
0x190: {  	[bflag:$0x3] =	sbarrier.arrive $0xFFFF  }
0x191: {  	_ =	shalt  }

</sc_bundles>
